<compile_context>
chip_gen: v7x
topology: tpu7x:2x2x1
jax: 0.10.2.dev20260603
libtpu: 0.0.44.dev20260713+nightly
codegen_flags: <defaults>
</compile_context>

<pallas_src>
import functools

import jax
import jax.numpy as jnp
from jax import lax
from jax.experimental import pallas as pl
from jax.experimental.pallas import tpu as pltpu
from jax.experimental.pallas import tpu_sc as plsc

D = 32
VOCAB = 1000000
IDX_BIAS = 0x4B000000
NF = 26
BATCH = 16384
NC, NS = 2, 16
NW = NC * NS
BW = BATCH // NW
CH = 128
NCHUNK = NF * (BW // CH)
PITCH = 129
IPITCH = 520

_mesh = plsc.VectorSubcoreMesh(core_axis_name="c", subcore_axis_name="s")


@functools.partial(
    pl.kernel,
    mesh=_mesh,
    out_type=jax.ShapeDtypeStruct((NF, D, BATCH), jnp.float32),
    scratch_types=[
        pltpu.VMEM((BW, D), jnp.float32),
        pltpu.VMEM((NF, IPITCH), jnp.int32),
        pltpu.VMEM((CH, D), jnp.float32),
        pltpu.VMEM((CH, D), jnp.float32),
        pltpu.VMEM((D, PITCH), jnp.float32),
        pltpu.VMEM((D, PITCH), jnp.float32),
        pltpu.SemaphoreType.DMA,
        pltpu.SemaphoreType.DMA,
        pltpu.SemaphoreType.DMA,
        pltpu.SemaphoreType.DMA,
    ],
    compiler_params=pltpu.CompilerParams(use_tc_tiling_on_sc=False,
                                         needs_layout_passes=False),
)
def _gather_rows(w_hbm, out_hbm, idx_raw, idx_t, rows0, rows1,
                 tr0, tr1, s_g0, s_g1, s_o0, s_o1):
    wid = lax.axis_index("s") * NC + lax.axis_index("c")
    b0 = wid * BW

    rows = (rows0, rows1)
    trs = (tr0, tr1)
    s_g = (s_g0, s_g1)
    s_o = (s_o0, s_o1)

    pltpu.sync_copy(w_hbm.at[pl.ds(VOCAB + b0, BW)], idx_raw)

    iota16 = lax.iota(jnp.int32, 16)

    def idx_body(j, carry):
        for jj in range(4):
            row = j * 4 + jj
            rvec = jnp.full((16,), row, jnp.int32)
            v_lo = plsc.bitcast(idx_raw[row, pl.ds(0, 16)],
                                jnp.int32) - IDX_BIAS
            v_hi = plsc.bitcast(idx_raw[row, pl.ds(NF - 16, 16)],
                                jnp.int32) - IDX_BIAS
            plsc.store_scatter(idx_t, [iota16, rvec], v_lo)
            plsc.store_scatter(idx_t, [iota16 + (NF - 16), rvec], v_hi)
        return carry

    lax.fori_loop(0, BW // 4, idx_body, 0)

    def split(i):
        f = i // 4
        tcl = lax.rem(i, 4)
        return f, tcl

    def issue_gather(i, par):
        f, tcl = split(i)
        return pltpu.async_copy(
            w_hbm.at[idx_t.at[f, pl.ds(tcl * CH, CH)]], rows[par], s_g[par])

    def issue_write(i, par):
        f, tcl = split(i)
        return pltpu.async_copy(
            trs[par].at[:, pl.ds(0, CH)],
            out_hbm.at[f, :, pl.ds(b0 + tcl * CH, CH)], s_o[par])

    def transpose(par):
        src, dst = rows[par], trs[par]

        def body_j(j, carry):
            for jj in range(8):
                row = j * 8 + jj
                rvec = jnp.full((16,), row, jnp.int32)
                v_lo = src[row, pl.ds(0, 16)]
                v_hi = src[row, pl.ds(16, 16)]
                plsc.store_scatter(dst, [iota16, rvec], v_lo)
                plsc.store_scatter(dst, [iota16 + 16, rvec], v_hi)
            return carry

        lax.fori_loop(0, CH // 8, body_j, 0)

    issue_gather(0, 0)
    issue_gather(1, 1)

    def step(k, carry):
        for par in range(2):
            i = 2 * k + par
            pltpu.make_async_copy(w_hbm.at[idx_t.at[0, pl.ds(0, CH)]],
                                  rows[par], s_g[par]).wait()

            @pl.when(i >= 2)
            def _():
                pltpu.make_async_copy(
                    trs[par].at[:, pl.ds(0, CH)],
                    out_hbm.at[0, :, pl.ds(0, CH)], s_o[par]).wait()

            transpose(par)
            issue_write(i, par)

            @pl.when(i + 2 < NCHUNK)
            def _():
                issue_gather(i + 2, par)
        return carry

    lax.fori_loop(0, NCHUNK // 2, step, 0)

    for par in range(2):
        pltpu.make_async_copy(trs[par].at[:, pl.ds(0, CH)],
                              out_hbm.at[0, :, pl.ds(0, CH)], s_o[par]).wait()


def kernel(x, weight):
    xpad = jnp.pad(x, ((0, 0), (0, D - NF))) | jnp.int32(IDX_BIAS)
    wx = jnp.concatenate(
        [weight, jax.lax.bitcast_convert_type(xpad, jnp.float32)], axis=0)
    out = _gather_rows(wx)
    return out.transpose(2, 0, 1)

# --- scband reference (transcript-rebuilt; emitter-appended) ---
"""Pipeline reference for scband-features-embedding-4183298146367 (READ-ONLY COPY).

The authoritative reference and input builder live on the scoring server;
editing this copy changes nothing except your own understanding.
"""

import jax, jax.numpy as jnp
import numpy as np

VOCAB = 1000000
EMBED_DIM = 32
BATCH = 16384
NUM_FIELDS = 26

def setup_inputs(seed: int = 0) -> dict:
    key = jax.random.key(seed)
    k_idx, k_w = jax.random.split(key)
    x = jax.random.randint(k_idx, (BATCH, NUM_FIELDS), 0, VOCAB, dtype=jnp.int64 if jax.config.jax_enable_x64 else jnp.int32)
    # xavier_uniform init for embedding table (fan_in=VOCAB, fan_out=EMBED_DIM)
    limit = float(np.sqrt(6.0 / (VOCAB + EMBED_DIM)))
    weight = jax.random.uniform(k_w, (VOCAB, EMBED_DIM), dtype=jnp.float32, minval=-limit, maxval=limit)
    return {"x": x, "weight": weight}

def reference(x, weight):
    # nn.Embedding forward: gather rows of the table by index
    return jnp.take(weight, x, axis=0)

if __name__ == "__main__":
    import jax
    _d = setup_inputs()
    print(jax.jit(kernel)(*tuple(_d.values())))

</pallas_src>

<mosaic_0001>
#map = affine_map<(d0, d1) -> (0, 0)>
#map1 = affine_map<(d0, d1) -> (0, 0, 0)>
module attributes {stable_mosaic.version = 14 : i64} {
  func.func @_gather_rows(%arg0: i32, %arg1: i32, %arg2: memref<1016384x32xf32, #tpu.memory_space<hbm>>, %arg3: memref<26x32x16384xf32, #tpu.memory_space<hbm>>, %arg4: memref<512x32xf32, #tpu.memory_space<vmem>>, %arg5: memref<26x520xi32, #tpu.memory_space<vmem>>, %arg6: memref<128x32xf32, #tpu.memory_space<vmem>>, %arg7: memref<128x32xf32, #tpu.memory_space<vmem>>, %arg8: memref<32x129xf32, #tpu.memory_space<vmem>>, %arg9: memref<32x129xf32, #tpu.memory_space<vmem>>, %arg10: memref<!tpu.dma_semaphore, #tpu.memory_space<semaphore_mem>>, %arg11: memref<!tpu.dma_semaphore, #tpu.memory_space<semaphore_mem>>, %arg12: memref<!tpu.dma_semaphore, #tpu.memory_space<semaphore_mem>>, %arg13: memref<!tpu.dma_semaphore, #tpu.memory_space<semaphore_mem>>) attributes {dimension_semantics = [#tpu.dimension_semantics<core_parallel>, #tpu.dimension_semantics<subcore_parallel>], iteration_bounds = array<i64: 2, 16>, scalar_prefetch = 0 : i64, scratch_operands = 10 : i64, tpu.core_type = #tpu.core_type<sc_vector_subcore>, window_params = [{transform_indices = #map}, {transform_indices = #map1}]} {
    %mul3A = arith.constant 2 : i32
    %mul3A_0 = arith.muli %arg1, %mul3A : i32
    %add3A = arith.addi %mul3A_0, %arg0 : i32
    %mul3A_1 = arith.constant 512 : i32
    %mul3A_2 = arith.muli %add3A, %mul3A_1 : i32
    %add3A_3 = arith.constant 1000000 : i32
    %add3A_4 = arith.addi %add3A_3, %mul3A_2 : i32
    "tpu.region"() ({
      %run_scoped3A = tpu.sem_alloc : memref<!tpu.dma_semaphore, #tpu.memory_space<semaphore_mem>>
      %dma_start3A_65 = arith.constant 0 : i32
      %dma_start3A_66 = tpu.memref_slice %arg2[%add3A_4, %dma_start3A_65] : memref<1016384x32xf32, #tpu.memory_space<hbm>> -> memref<512x32xf32, #tpu.memory_space<hbm>>
      %dma_start3A_67 = arith.constant 0 : i32
      %dma_start3A_68 = tpu.memref_slice %arg2[%add3A_4, %dma_start3A_67] : memref<1016384x32xf32, #tpu.memory_space<hbm>> -> memref<512x32xf32, #tpu.memory_space<hbm>>
      tpu.enqueue_dma source(%dma_start3A_68 : memref<512x32xf32, #tpu.memory_space<hbm>>) target(%arg4 : memref<512x32xf32, #tpu.memory_space<vmem>>) target_semaphore(%run_scoped3A : memref<!tpu.dma_semaphore, #tpu.memory_space<semaphore_mem>>)
      %dma_wait3A_69 = arith.constant 0 : i32
      %dma_wait3A_70 = tpu.memref_slice %arg2[%add3A_4, %dma_wait3A_69] : memref<1016384x32xf32, #tpu.memory_space<hbm>> -> memref<512x32xf32, #tpu.memory_space<hbm>>
      %dma_wait3A_71 = arith.constant 0 : i32
      %dma_wait3A_72 = tpu.memref_slice %arg2[%add3A_4, %dma_wait3A_71] : memref<1016384x32xf32, #tpu.memory_space<hbm>> -> memref<512x32xf32, #tpu.memory_space<hbm>>
      tpu.wait_dma2 semaphore(%run_scoped3A : memref<!tpu.dma_semaphore, #tpu.memory_space<semaphore_mem>>) src(%dma_wait3A_72 : memref<512x32xf32, #tpu.memory_space<hbm>>) dst(%arg4 : memref<512x32xf32, #tpu.memory_space<vmem>>)
      tpu.yield
    }) : () -> ()
    %iota3A = tpu.iota {dimensions = array<i32: 0>} : vector<16xi32>
    %scan3A = arith.constant 0 : i32
    %scan3A_5 = arith.constant 0 : i32
    %scan3A_6 = arith.constant 128 : i32
    %scan3A_7 = arith.addi %scan3A_5, %scan3A_6 : i32
    %scan3A_8 = arith.constant 1 : i32
    scf.for %scan3A_65 = %scan3A_5 to %scan3A_7 step %scan3A_8  : i32 {
      %mul3A_66 = arith.constant 4 : i32
      %mul3A_67 = arith.muli %scan3A_65, %mul3A_66 : i32
      %add3A_68 = arith.constant 0 : i32
      %add3A_69 = arith.addi %mul3A_67, %add3A_68 : i32
      %broadcast_in_dim3A = vector.broadcast %add3A_69 : i32 to vector<16xi32>
      %get3A = arith.index_cast %add3A_69 : i32 to index
      %get3A_70 = arith.constant 0 : index
      %get3A_71 = tpu.vector_load %arg4[%get3A, %get3A_70] {strides = array<i32>} : memref<512x32xf32, #tpu.memory_space<vmem>>, vector<16xf32>,
      %bitcast3A = vector.bitcast %get3A_71 : vector<16xf32> to vector<16xi32>
      %sub3A = arith.constant 1258291200 : i32
      %sub3A_72 = vector.broadcast %sub3A : i32 to vector<16xi32>
      %sub3A_73 = arith.subi %bitcast3A, %sub3A_72 : vector<16xi32>
      %get3A_74 = arith.index_cast %add3A_69 : i32 to index
      %get3A_75 = arith.constant 10 : index
      %get3A_76 = tpu.vector_load %arg4[%get3A_74, %get3A_75] {strides = array<i32>} : memref<512x32xf32, #tpu.memory_space<vmem>>, vector<16xf32>,
      %bitcast3A_77 = vector.bitcast %get3A_76 : vector<16xf32> to vector<16xi32>
      %sub3A_78 = arith.constant 1258291200 : i32
      %sub3A_79 = vector.broadcast %sub3A_78 : i32 to vector<16xi32>
      %sub3A_80 = arith.subi %bitcast3A_77, %sub3A_79 : vector<16xi32>
      tpu.vector_store_idx %arg5[%iota3A, %broadcast_in_dim3A], %sub3A_73 : memref<26x520xi32, #tpu.memory_space<vmem>>[vector<16xi32>, vector<16xi32>], vector<16xi32>,
      %add3A_81 = arith.constant 10 : i32
      %add3A_82 = vector.broadcast %add3A_81 : i32 to vector<16xi32>
      %add3A_83 = arith.addi %iota3A, %add3A_82 : vector<16xi32>
      tpu.vector_store_idx %arg5[%add3A_83, %broadcast_in_dim3A], %sub3A_80 : memref<26x520xi32, #tpu.memory_space<vmem>>[vector<16xi32>, vector<16xi32>], vector<16xi32>,
      %mul3A_84 = arith.constant 4 : i32
      %mul3A_85 = arith.muli %scan3A_65, %mul3A_84 : i32
      %add3A_86 = arith.constant 1 : i32
      %add3A_87 = arith.addi %mul3A_85, %add3A_86 : i32
      %broadcast_in_dim3A_88 = vector.broadcast %add3A_87 : i32 to vector<16xi32>
      %get3A_89 = arith.index_cast %add3A_87 : i32 to index
      %get3A_90 = arith.constant 0 : index
      %get3A_91 = tpu.vector_load %arg4[%get3A_89, %get3A_90] {strides = array<i32>} : memref<512x32xf32, #tpu.memory_space<vmem>>, vector<16xf32>,
      %bitcast3A_92 = vector.bitcast %get3A_91 : vector<16xf32> to vector<16xi32>
      %sub3A_93 = arith.constant 1258291200 : i32
      %sub3A_94 = vector.broadcast %sub3A_93 : i32 to vector<16xi32>
      %sub3A_95 = arith.subi %bitcast3A_92, %sub3A_94 : vector<16xi32>
      %get3A_96 = arith.index_cast %add3A_87 : i32 to index
      %get3A_97 = arith.constant 10 : index
      %get3A_98 = tpu.vector_load %arg4[%get3A_96, %get3A_97] {strides = array<i32>} : memref<512x32xf32, #tpu.memory_space<vmem>>, vector<16xf32>,
      %bitcast3A_99 = vector.bitcast %get3A_98 : vector<16xf32> to vector<16xi32>
      %sub3A_100 = arith.constant 1258291200 : i32
      %sub3A_101 = vector.broadcast %sub3A_100 : i32 to vector<16xi32>
      %sub3A_102 = arith.subi %bitcast3A_99, %sub3A_101 : vector<16xi32>
      tpu.vector_store_idx %arg5[%iota3A, %broadcast_in_dim3A_88], %sub3A_95 : memref<26x520xi32, #tpu.memory_space<vmem>>[vector<16xi32>, vector<16xi32>], vector<16xi32>,
      %add3A_103 = arith.constant 10 : i32
      %add3A_104 = vector.broadcast %add3A_103 : i32 to vector<16xi32>
      %add3A_105 = arith.addi %iota3A, %add3A_104 : vector<16xi32>
      tpu.vector_store_idx %arg5[%add3A_105, %broadcast_in_dim3A_88], %sub3A_102 : memref<26x520xi32, #tpu.memory_space<vmem>>[vector<16xi32>, vector<16xi32>], vector<16xi32>,
      %mul3A_106 = arith.constant 4 : i32
      %mul3A_107 = arith.muli %scan3A_65, %mul3A_106 : i32
      %add3A_108 = arith.constant 2 : i32
      %add3A_109 = arith.addi %mul3A_107, %add3A_108 : i32
      %broadcast_in_dim3A_110 = vector.broadcast %add3A_109 : i32 to vector<16xi32>
      %get3A_111 = arith.index_cast %add3A_109 : i32 to index
      %get3A_112 = arith.constant 0 : index
      %get3A_113 = tpu.vector_load %arg4[%get3A_111, %get3A_112] {strides = array<i32>} : memref<512x32xf32, #tpu.memory_space<vmem>>, vector<16xf32>,
      %bitcast3A_114 = vector.bitcast %get3A_113 : vector<16xf32> to vector<16xi32>
      %sub3A_115 = arith.constant 1258291200 : i32
      %sub3A_116 = vector.broadcast %sub3A_115 : i32 to vector<16xi32>
      %sub3A_117 = arith.subi %bitcast3A_114, %sub3A_116 : vector<16xi32>
      %get3A_118 = arith.index_cast %add3A_109 : i32 to index
      %get3A_119 = arith.constant 10 : index
      %get3A_120 = tpu.vector_load %arg4[%get3A_118, %get3A_119] {strides = array<i32>} : memref<512x32xf32, #tpu.memory_space<vmem>>, vector<16xf32>,
      %bitcast3A_121 = vector.bitcast %get3A_120 : vector<16xf32> to vector<16xi32>
      %sub3A_122 = arith.constant 1258291200 : i32
      %sub3A_123 = vector.broadcast %sub3A_122 : i32 to vector<16xi32>
      %sub3A_124 = arith.subi %bitcast3A_121, %sub3A_123 : vector<16xi32>
      tpu.vector_store_idx %arg5[%iota3A, %broadcast_in_dim3A_110], %sub3A_117 : memref<26x520xi32, #tpu.memory_space<vmem>>[vector<16xi32>, vector<16xi32>], vector<16xi32>,
      %add3A_125 = arith.constant 10 : i32
      %add3A_126 = vector.broadcast %add3A_125 : i32 to vector<16xi32>
      %add3A_127 = arith.addi %iota3A, %add3A_126 : vector<16xi32>
      tpu.vector_store_idx %arg5[%add3A_127, %broadcast_in_dim3A_110], %sub3A_124 : memref<26x520xi32, #tpu.memory_space<vmem>>[vector<16xi32>, vector<16xi32>], vector<16xi32>,
      %mul3A_128 = arith.constant 4 : i32
      %mul3A_129 = arith.muli %scan3A_65, %mul3A_128 : i32
      %add3A_130 = arith.constant 3 : i32
      %add3A_131 = arith.addi %mul3A_129, %add3A_130 : i32
      %broadcast_in_dim3A_132 = vector.broadcast %add3A_131 : i32 to vector<16xi32>
      %get3A_133 = arith.index_cast %add3A_131 : i32 to index
      %get3A_134 = arith.constant 0 : index
      %get3A_135 = tpu.vector_load %arg4[%get3A_133, %get3A_134] {strides = array<i32>} : memref<512x32xf32, #tpu.memory_space<vmem>>, vector<16xf32>,
      %bitcast3A_136 = vector.bitcast %get3A_135 : vector<16xf32> to vector<16xi32>
      %sub3A_137 = arith.constant 1258291200 : i32
      %sub3A_138 = vector.broadcast %sub3A_137 : i32 to vector<16xi32>
      %sub3A_139 = arith.subi %bitcast3A_136, %sub3A_138 : vector<16xi32>
      %get3A_140 = arith.index_cast %add3A_131 : i32 to index
      %get3A_141 = arith.constant 10 : index
      %get3A_142 = tpu.vector_load %arg4[%get3A_140, %get3A_141] {strides = array<i32>} : memref<512x32xf32, #tpu.memory_space<vmem>>, vector<16xf32>,
      %bitcast3A_143 = vector.bitcast %get3A_142 : vector<16xf32> to vector<16xi32>
      %sub3A_144 = arith.constant 1258291200 : i32
      %sub3A_145 = vector.broadcast %sub3A_144 : i32 to vector<16xi32>
      %sub3A_146 = arith.subi %bitcast3A_143, %sub3A_145 : vector<16xi32>
      tpu.vector_store_idx %arg5[%iota3A, %broadcast_in_dim3A_132], %sub3A_139 : memref<26x520xi32, #tpu.memory_space<vmem>>[vector<16xi32>, vector<16xi32>], vector<16xi32>,
      %add3A_147 = arith.constant 10 : i32
      %add3A_148 = vector.broadcast %add3A_147 : i32 to vector<16xi32>
      %add3A_149 = arith.addi %iota3A, %add3A_148 : vector<16xi32>
      tpu.vector_store_idx %arg5[%add3A_149, %broadcast_in_dim3A_132], %sub3A_146 : memref<26x520xi32, #tpu.memory_space<vmem>>[vector<16xi32>, vector<16xi32>], vector<16xi32>,
    }
    %scan3A_9 = arith.constant 128 : i32
    %rem3A = arith.constant 0 : i32
    %rem3A_10 = arith.constant 4 : i32
    %rem3A_11 = arith.remsi %rem3A, %rem3A_10 : i32
    %mul3A_12 = arith.constant 128 : i32
    %mul3A_13 = arith.muli %rem3A_11, %mul3A_12 : i32
    %dma_start3A = arith.constant 0 : i32
    %dma_start3A_14 = tpu.memref_slice %arg5[%dma_start3A, %mul3A_13] : memref<26x520xi32, #tpu.memory_space<vmem>> -> memref<1x128xi32, #tpu.memory_space<vmem>>
    %dma_start3A_15 = tpu.memref_squeeze %dma_start3A_14 : memref<1x128xi32, #tpu.memory_space<vmem>> -> memref<128xi32, #tpu.memory_space<vmem>>
    %dma_start3A_16 = arith.constant 0 : i32
    %dma_start3A_17 = arith.constant 0 : i32
    %dma_start3A_18 = tpu.memref_slice %arg2[%dma_start3A_16, %dma_start3A_17] : memref<1016384x32xf32, #tpu.memory_space<hbm>> -> memref<1016384x32xf32, #tpu.memory_space<hbm>>
    tpu.enqueue_indirect_dma source(%dma_start3A_18 : memref<1016384x32xf32, #tpu.memory_space<hbm>>) target(%arg6 : memref<128x32xf32, #tpu.memory_space<vmem>>) offsets(%dma_start3A_15 : memref<128xi32, #tpu.memory_space<vmem>>) semaphore(%arg10 : memref<!tpu.dma_semaphore, #tpu.memory_space<semaphore_mem>>)
    %rem3A_19 = arith.constant 1 : i32
    %rem3A_20 = arith.constant 4 : i32
    %rem3A_21 = arith.remsi %rem3A_19, %rem3A_20 : i32
    %mul3A_22 = arith.constant 128 : i32
    %mul3A_23 = arith.muli %rem3A_21, %mul3A_22 : i32
    %dma_start3A_24 = arith.constant 0 : i32
    %dma_start3A_25 = tpu.memref_slice %arg5[%dma_start3A_24, %mul3A_23] : memref<26x520xi32, #tpu.memory_space<vmem>> -> memref<1x128xi32, #tpu.memory_space<vmem>>
    %dma_start3A_26 = tpu.memref_squeeze %dma_start3A_25 : memref<1x128xi32, #tpu.memory_space<vmem>> -> memref<128xi32, #tpu.memory_space<vmem>>
    %dma_start3A_27 = arith.constant 0 : i32
    %dma_start3A_28 = arith.constant 0 : i32
    %dma_start3A_29 = tpu.memref_slice %arg2[%dma_start3A_27, %dma_start3A_28] : memref<1016384x32xf32, #tpu.memory_space<hbm>> -> memref<1016384x32xf32, #tpu.memory_space<hbm>>
    tpu.enqueue_indirect_dma source(%dma_start3A_29 : memref<1016384x32xf32, #tpu.memory_space<hbm>>) target(%arg7 : memref<128x32xf32, #tpu.memory_space<vmem>>) offsets(%dma_start3A_26 : memref<128xi32, #tpu.memory_space<vmem>>) semaphore(%arg11 : memref<!tpu.dma_semaphore, #tpu.memory_space<semaphore_mem>>)
    %scan3A_30 = arith.constant 0 : i32
    %scan3A_31 = arith.constant 0 : i32
    %scan3A_32 = arith.constant 52 : i32
    %scan3A_33 = arith.addi %scan3A_31, %scan3A_32 : i32
    %scan3A_34 = arith.constant 1 : i32
    scf.for %scan3A_65 = %scan3A_31 to %scan3A_33 step %scan3A_34  : i32 {
      %mul3A_66 = arith.constant 2 : i32
      %mul3A_67 = arith.muli %mul3A_66, %scan3A_65 : i32
      %add3A_68 = arith.constant 0 : i32
      %add3A_69 = arith.addi %mul3A_67, %add3A_68 : i32
      %dma_wait3A_70 = arith.constant 0 : i32
      %dma_wait3A_71 = arith.constant 0 : i32
      %dma_wait3A_72 = tpu.memref_slice %arg5[%dma_wait3A_70, %dma_wait3A_71] : memref<26x520xi32, #tpu.memory_space<vmem>> -> memref<1x128xi32, #tpu.memory_space<vmem>>
      %dma_wait3A_73 = tpu.memref_squeeze %dma_wait3A_72 : memref<1x128xi32, #tpu.memory_space<vmem>> -> memref<128xi32, #tpu.memory_space<vmem>>
      %dma_wait3A_74 = arith.constant 0 : i32
      %dma_wait3A_75 = arith.constant 0 : i32
      %dma_wait3A_76 = tpu.memref_slice %arg2[%dma_wait3A_74, %dma_wait3A_75] : memref<1016384x32xf32, #tpu.memory_space<hbm>> -> memref<1016384x32xf32, #tpu.memory_space<hbm>>
      tpu.wait_indirect_dma semaphore(%arg10 : memref<!tpu.dma_semaphore, #tpu.memory_space<semaphore_mem>>) src(%dma_wait3A_76 : memref<1016384x32xf32, #tpu.memory_space<hbm>>) dst(%arg6 : memref<128x32xf32, #tpu.memory_space<vmem>>)
      %ge3A = arith.constant 2 : i32
      %ge3A_77 = arith.cmpi sge, %add3A_69, %ge3A : i32
      %convert_element_type3A = arith.extui %ge3A_77 : i1 to i32
      %cond3A = arith.constant 0 : i32
      %cond3A_78 = arith.cmpi ne, %convert_element_type3A, %cond3A : i32
      scf.if %cond3A_78 {
        %dma_wait3A_195 = arith.constant 0 : i32
        %dma_wait3A_196 = arith.constant 0 : i32
        %dma_wait3A_197 = arith.constant 0 : i32
        %dma_wait3A_198 = tpu.memref_slice %arg8[%dma_wait3A_196, %dma_wait3A_197] : memref<32x129xf32, #tpu.memory_space<vmem>> -> memref<32x128xf32, #tpu.memory_space<vmem>>
        %dma_wait3A_199 = arith.constant 0 : i32
        %dma_wait3A_200 = arith.constant 0 : i32
        %dma_wait3A_201 = tpu.memref_slice %arg3[%dma_wait3A_195, %dma_wait3A_199, %dma_wait3A_200] : memref<26x32x16384xf32, #tpu.memory_space<hbm>> -> memref<1x32x128xf32, #tpu.memory_space<hbm>>
        %dma_wait3A_202 = tpu.memref_squeeze %dma_wait3A_201 : memref<1x32x128xf32, #tpu.memory_space<hbm>> -> memref<32x128xf32, #tpu.memory_space<hbm>>
        %dma_wait3A_203 = arith.constant 0 : i32
        %dma_wait3A_204 = arith.constant 0 : i32
        %dma_wait3A_205 = tpu.memref_slice %arg3[%dma_wait3A_195, %dma_wait3A_203, %dma_wait3A_204] : memref<26x32x16384xf32, #tpu.memory_space<hbm>> -> memref<1x32x128xf32, #tpu.memory_space<hbm>>
        %dma_wait3A_206 = tpu.memref_squeeze %dma_wait3A_205 : memref<1x32x128xf32, #tpu.memory_space<hbm>> -> memref<32x128xf32, #tpu.memory_space<hbm>>
        %dma_wait3A_207 = arith.constant 0 : i32
        %dma_wait3A_208 = arith.constant 0 : i32
        %dma_wait3A_209 = tpu.memref_slice %arg8[%dma_wait3A_207, %dma_wait3A_208] : memref<32x129xf32, #tpu.memory_space<vmem>> -> memref<32x128xf32, #tpu.memory_space<vmem>>
        tpu.wait_dma2 semaphore(%arg12 : memref<!tpu.dma_semaphore, #tpu.memory_space<semaphore_mem>>) src(%dma_wait3A_209 : memref<32x128xf32, #tpu.memory_space<vmem>>) dst(%dma_wait3A_206 : memref<32x128xf32, #tpu.memory_space<hbm>>)
      } else {
      }
      %scan3A_79 = arith.constant 0 : i32
      %scan3A_80 = arith.constant 0 : i32
      %scan3A_81 = arith.constant 16 : i32
      %scan3A_82 = arith.addi %scan3A_80, %scan3A_81 : i32
      %scan3A_83 = arith.constant 1 : i32
      scf.for %scan3A_195 = %scan3A_80 to %scan3A_82 step %scan3A_83  : i32 {
        %mul3A_196 = arith.constant 8 : i32
        %mul3A_197 = arith.muli %scan3A_195, %mul3A_196 : i32
        %add3A_198 = arith.constant 0 : i32
        %add3A_199 = arith.addi %mul3A_197, %add3A_198 : i32
        %broadcast_in_dim3A = vector.broadcast %add3A_199 : i32 to vector<16xi32>
        %get3A = arith.index_cast %add3A_199 : i32 to index
        %get3A_200 = arith.constant 0 : index
        %get3A_201 = tpu.vector_load %arg6[%get3A, %get3A_200] {strides = array<i32>} : memref<128x32xf32, #tpu.memory_space<vmem>>, vector<16xf32>,
        %get3A_202 = arith.index_cast %add3A_199 : i32 to index
        %get3A_203 = arith.constant 16 : index
        %get3A_204 = tpu.vector_load %arg6[%get3A_202, %get3A_203] {strides = array<i32>} : memref<128x32xf32, #tpu.memory_space<vmem>>, vector<16xf32>,
        tpu.vector_store_idx %arg8[%iota3A, %broadcast_in_dim3A], %get3A_201 : memref<32x129xf32, #tpu.memory_space<vmem>>[vector<16xi32>, vector<16xi32>], vector<16xf32>,
        %add3A_205 = arith.constant 16 : i32
        %add3A_206 = vector.broadcast %add3A_205 : i32 to vector<16xi32>
        %add3A_207 = arith.addi %iota3A, %add3A_206 : vector<16xi32>
        tpu.vector_store_idx %arg8[%add3A_207, %broadcast_in_dim3A], %get3A_204 : memref<32x129xf32, #tpu.memory_space<vmem>>[vector<16xi32>, vector<16xi32>], vector<16xf32>,
        %mul3A_208 = arith.constant 8 : i32
        %mul3A_209 = arith.muli %scan3A_195, %mul3A_208 : i32
        %add3A_210 = arith.constant 1 : i32
        %add3A_211 = arith.addi %mul3A_209, %add3A_210 : i32
        %broadcast_in_dim3A_212 = vector.broadcast %add3A_211 : i32 to vector<16xi32>
        %get3A_213 = arith.index_cast %add3A_211 : i32 to index
        %get3A_214 = arith.constant 0 : index
        %get3A_215 = tpu.vector_load %arg6[%get3A_213, %get3A_214] {strides = array<i32>} : memref<128x32xf32, #tpu.memory_space<vmem>>, vector<16xf32>,
        %get3A_216 = arith.index_cast %add3A_211 : i32 to index
        %get3A_217 = arith.constant 16 : index
        %get3A_218 = tpu.vector_load %arg6[%get3A_216, %get3A_217] {strides = array<i32>} : memref<128x32xf32, #tpu.memory_space<vmem>>, vector<16xf32>,
        tpu.vector_store_idx %arg8[%iota3A, %broadcast_in_dim3A_212], %get3A_215 : memref<32x129xf32, #tpu.memory_space<vmem>>[vector<16xi32>, vector<16xi32>], vector<16xf32>,
        %add3A_219 = arith.constant 16 : i32
        %add3A_220 = vector.broadcast %add3A_219 : i32 to vector<16xi32>
        %add3A_221 = arith.addi %iota3A, %add3A_220 : vector<16xi32>
        tpu.vector_store_idx %arg8[%add3A_221, %broadcast_in_dim3A_212], %get3A_218 : memref<32x129xf32, #tpu.memory_space<vmem>>[vector<16xi32>, vector<16xi32>], vector<16xf32>,
        %mul3A_222 = arith.constant 8 : i32
        %mul3A_223 = arith.muli %scan3A_195, %mul3A_222 : i32
        %add3A_224 = arith.constant 2 : i32
        %add3A_225 = arith.addi %mul3A_223, %add3A_224 : i32
        %broadcast_in_dim3A_226 = vector.broadcast %add3A_225 : i32 to vector<16xi32>
        %get3A_227 = arith.index_cast %add3A_225 : i32 to index
        %get3A_228 = arith.constant 0 : index
        %get3A_229 = tpu.vector_load %arg6[%get3A_227, %get3A_228] {strides = array<i32>} : memref<128x32xf32, #tpu.memory_space<vmem>>, vector<16xf32>,
        %get3A_230 = arith.index_cast %add3A_225 : i32 to index
        %get3A_231 = arith.constant 16 : index
        %get3A_232 = tpu.vector_load %arg6[%get3A_230, %get3A_231] {strides = array<i32>} : memref<128x32xf32, #tpu.memory_space<vmem>>, vector<16xf32>,
        tpu.vector_store_idx %arg8[%iota3A, %broadcast_in_dim3A_226], %get3A_229 : memref<32x129xf32, #tpu.memory_space<vmem>>[vector<16xi32>, vector<16xi32>], vector<16xf32>,
        %add3A_233 = arith.constant 16 : i32
        %add3A_234 = vector.broadcast %add3A_233 : i32 to vector<16xi32>
        %add3A_235 = arith.addi %iota3A, %add3A_234 : vector<16xi32>
        tpu.vector_store_idx %arg8[%add3A_235, %broadcast_in_dim3A_226], %get3A_232 : memref<32x129xf32, #tpu.memory_space<vmem>>[vector<16xi32>, vector<16xi32>], vector<16xf32>,
        %mul3A_236 = arith.constant 8 : i32
        %mul3A_237 = arith.muli %scan3A_195, %mul3A_236 : i32
        %add3A_238 = arith.constant 3 : i32
        %add3A_239 = arith.addi %mul3A_237, %add3A_238 : i32
        %broadcast_in_dim3A_240 = vector.broadcast %add3A_239 : i32 to vector<16xi32>
        %get3A_241 = arith.index_cast %add3A_239 : i32 to index
        %get3A_242 = arith.constant 0 : index
        %get3A_243 = tpu.vector_load %arg6[%get3A_241, %get3A_242] {strides = array<i32>} : memref<128x32xf32, #tpu.memory_space<vmem>>, vector<16xf32>,
        %get3A_244 = arith.index_cast %add3A_239 : i32 to index
        %get3A_245 = arith.constant 16 : index
        %get3A_246 = tpu.vector_load %arg6[%get3A_244, %get3A_245] {strides = array<i32>} : memref<128x32xf32, #tpu.memory_space<vmem>>, vector<16xf32>,
        tpu.vector_store_idx %arg8[%iota3A, %broadcast_in_dim3A_240], %get3A_243 : memref<32x129xf32, #tpu.memory_space<vmem>>[vector<16xi32>, vector<16xi32>], vector<16xf32>,
        %add3A_247 = arith.constant 16 : i32
        %add3A_248 = vector.broadcast %add3A_247 : i32 to vector<16xi32>
        %add3A_249 = arith.addi %iota3A, %add3A_248 : vector<16xi32>
        tpu.vector_store_idx %arg8[%add3A_249, %broadcast_in_dim3A_240], %get3A_246 : memref<32x129xf32, #tpu.memory_space<vmem>>[vector<16xi32>, vector<16xi32>], vector<16xf32>,
        %mul3A_250 = arith.constant 8 : i32
        %mul3A_251 = arith.muli %scan3A_195, %mul3A_250 : i32
        %add3A_252 = arith.constant 4 : i32
        %add3A_253 = arith.addi %mul3A_251, %add3A_252 : i32
        %broadcast_in_dim3A_254 = vector.broadcast %add3A_253 : i32 to vector<16xi32>
        %get3A_255 = arith.index_cast %add3A_253 : i32 to index
        %get3A_256 = arith.constant 0 : index
        %get3A_257 = tpu.vector_load %arg6[%get3A_255, %get3A_256] {strides = array<i32>} : memref<128x32xf32, #tpu.memory_space<vmem>>, vector<16xf32>,
        %get3A_258 = arith.index_cast %add3A_253 : i32 to index
        %get3A_259 = arith.constant 16 : index
        %get3A_260 = tpu.vector_load %arg6[%get3A_258, %get3A_259] {strides = array<i32>} : memref<128x32xf32, #tpu.memory_space<vmem>>, vector<16xf32>,
        tpu.vector_store_idx %arg8[%iota3A, %broadcast_in_dim3A_254], %get3A_257 : memref<32x129xf32, #tpu.memory_space<vmem>>[vector<16xi32>, vector<16xi32>], vector<16xf32>,
        %add3A_261 = arith.constant 16 : i32
        %add3A_262 = vector.broadcast %add3A_261 : i32 to vector<16xi32>
        %add3A_263 = arith.addi %iota3A, %add3A_262 : vector<16xi32>
        tpu.vector_store_idx %arg8[%add3A_263, %broadcast_in_dim3A_254], %get3A_260 : memref<32x129xf32, #tpu.memory_space<vmem>>[vector<16xi32>, vector<16xi32>], vector<16xf32>,
        %mul3A_264 = arith.constant 8 : i32
        %mul3A_265 = arith.muli %scan3A_195, %mul3A_264 : i32
        %add3A_266 = arith.constant 5 : i32
        %add3A_267 = arith.addi %mul3A_265, %add3A_266 : i32
        %broadcast_in_dim3A_268 = vector.broadcast %add3A_267 : i32 to vector<16xi32>
        %get3A_269 = arith.index_cast %add3A_267 : i32 to index
        %get3A_270 = arith.constant 0 : index
        %get3A_271 = tpu.vector_load %arg6[%get3A_269, %get3A_270] {strides = array<i32>} : memref<128x32xf32, #tpu.memory_space<vmem>>, vector<16xf32>,
        %get3A_272 = arith.index_cast %add3A_267 : i32 to index
        %get3A_273 = arith.constant 16 : index
        %get3A_274 = tpu.vector_load %arg6[%get3A_272, %get3A_273] {strides = array<i32>} : memref<128x32xf32, #tpu.memory_space<vmem>>, vector<16xf32>,
        tpu.vector_store_idx %arg8[%iota3A, %broadcast_in_dim3A_268], %get3A_271 : memref<32x129xf32, #tpu.memory_space<vmem>>[vector<16xi32>, vector<16xi32>], vector<16xf32>,
        %add3A_275 = arith.constant 16 : i32
        %add3A_276 = vector.broadcast %add3A_275 : i32 to vector<16xi32>
        %add3A_277 = arith.addi %iota3A, %add3A_276 : vector<16xi32>
        tpu.vector_store_idx %arg8[%add3A_277, %broadcast_in_dim3A_268], %get3A_274 : memref<32x129xf32, #tpu.memory_space<vmem>>[vector<16xi32>, vector<16xi32>], vector<16xf32>,
        %mul3A_278 = arith.constant 8 : i32
        %mul3A_279 = arith.muli %scan3A_195, %mul3A_278 : i32
        %add3A_280 = arith.constant 6 : i32
        %add3A_281 = arith.addi %mul3A_279, %add3A_280 : i32
        %broadcast_in_dim3A_282 = vector.broadcast %add3A_281 : i32 to vector<16xi32>
        %get3A_283 = arith.index_cast %add3A_281 : i32 to index
        %get3A_284 = arith.constant 0 : index
        %get3A_285 = tpu.vector_load %arg6[%get3A_283, %get3A_284] {strides = array<i32>} : memref<128x32xf32, #tpu.memory_space<vmem>>, vector<16xf32>,
        %get3A_286 = arith.index_cast %add3A_281 : i32 to index
        %get3A_287 = arith.constant 16 : index
        %get3A_288 = tpu.vector_load %arg6[%get3A_286, %get3A_287] {strides = array<i32>} : memref<128x32xf32, #tpu.memory_space<vmem>>, vector<16xf32>,
        tpu.vector_store_idx %arg8[%iota3A, %broadcast_in_dim3A_282], %get3A_285 : memref<32x129xf32, #tpu.memory_space<vmem>>[vector<16xi32>, vector<16xi32>], vector<16xf32>,
        %add3A_289 = arith.constant 16 : i32
        %add3A_290 = vector.broadcast %add3A_289 : i32 to vector<16xi32>
        %add3A_291 = arith.addi %iota3A, %add3A_290 : vector<16xi32>
        tpu.vector_store_idx %arg8[%add3A_291, %broadcast_in_dim3A_282], %get3A_288 : memref<32x129xf32, #tpu.memory_space<vmem>>[vector<16xi32>, vector<16xi32>], vector<16xf32>,
        %mul3A_292 = arith.constant 8 : i32
        %mul3A_293 = arith.muli %scan3A_195, %mul3A_292 : i32
        %add3A_294 = arith.constant 7 : i32
        %add3A_295 = arith.addi %mul3A_293, %add3A_294 : i32
        %broadcast_in_dim3A_296 = vector.broadcast %add3A_295 : i32 to vector<16xi32>
        %get3A_297 = arith.index_cast %add3A_295 : i32 to index
        %get3A_298 = arith.constant 0 : index
        %get3A_299 = tpu.vector_load %arg6[%get3A_297, %get3A_298] {strides = array<i32>} : memref<128x32xf32, #tpu.memory_space<vmem>>, vector<16xf32>,
        %get3A_300 = arith.index_cast %add3A_295 : i32 to index
        %get3A_301 = arith.constant 16 : index
        %get3A_302 = tpu.vector_load %arg6[%get3A_300, %get3A_301] {strides = array<i32>} : memref<128x32xf32, #tpu.memory_space<vmem>>, vector<16xf32>,
        tpu.vector_store_idx %arg8[%iota3A, %broadcast_in_dim3A_296], %get3A_299 : memref<32x129xf32, #tpu.memory_space<vmem>>[vector<16xi32>, vector<16xi32>], vector<16xf32>,
        %add3A_303 = arith.constant 16 : i32
        %add3A_304 = vector.broadcast %add3A_303 : i32 to vector<16xi32>
        %add3A_305 = arith.addi %iota3A, %add3A_304 : vector<16xi32>
        tpu.vector_store_idx %arg8[%add3A_305, %broadcast_in_dim3A_296], %get3A_302 : memref<32x129xf32, #tpu.memory_space<vmem>>[vector<16xi32>, vector<16xi32>], vector<16xf32>,
      }
      %scan3A_84 = arith.constant 16 : i32
      %jit3A = arith.constant 4 : i32
      %div3A = arith.divsi %add3A_69, %jit3A : i32
      %sign3A = arith.constant 0 : i32
      %sign3A_85 = arith.cmpi sgt, %add3A_69, %sign3A : i32
      %sign3A_86 = arith.extui %sign3A_85 : i1 to i32
      %sign3A_87 = arith.constant 0 : i32
      %sign3A_88 = arith.cmpi slt, %add3A_69, %sign3A_87 : i32
      %sign3A_89 = arith.extui %sign3A_88 : i1 to i32
      %sign3A_90 = arith.subi %sign3A_86, %sign3A_89 : i32
      %sign3A_91 = arith.constant 0 : i32
      %sign3A_92 = arith.cmpi sgt, %jit3A, %sign3A_91 : i32
      %sign3A_93 = arith.extui %sign3A_92 : i1 to i32
      %sign3A_94 = arith.constant 0 : i32
      %sign3A_95 = arith.cmpi slt, %jit3A, %sign3A_94 : i32
      %sign3A_96 = arith.extui %sign3A_95 : i1 to i32
      %sign3A_97 = arith.subi %sign3A_93, %sign3A_96 : i32
      %ne3A = arith.cmpi ne, %sign3A_90, %sign3A_97 : i32
      %rem3A_98 = arith.remsi %add3A_69, %jit3A : i32
      %ne3A_99 = arith.constant 0 : i32
      %ne3A_100 = arith.cmpi ne, %rem3A_98, %ne3A_99 : i32
      %and3A = arith.andi %ne3A, %ne3A_100 : i1
      %sub3A = arith.constant 1 : i32
      %sub3A_101 = arith.subi %div3A, %sub3A : i32
      %select_n3A = arith.select %and3A, %sub3A_101, %div3A : i32
      %rem3A_102 = arith.constant 4 : i32
      %rem3A_103 = arith.remsi %add3A_69, %rem3A_102 : i32
      %mul3A_104 = arith.constant 128 : i32
      %mul3A_105 = arith.muli %rem3A_103, %mul3A_104 : i32
      %add3A_106 = arith.addi %mul3A_2, %mul3A_105 : i32
      %dma_start3A_107 = arith.constant 0 : i32
      %dma_start3A_108 = arith.constant 0 : i32
      %dma_start3A_109 = tpu.memref_slice %arg8[%dma_start3A_107, %dma_start3A_108] : memref<32x129xf32, #tpu.memory_space<vmem>> -> memref<32x128xf32, #tpu.memory_space<vmem>>
      %dma_start3A_110 = arith.constant 0 : i32
      %dma_start3A_111 = tpu.memref_slice %arg3[%select_n3A, %dma_start3A_110, %add3A_106] : memref<26x32x16384xf32, #tpu.memory_space<hbm>> -> memref<1x32x128xf32, #tpu.memory_space<hbm>>
      %dma_start3A_112 = tpu.memref_squeeze %dma_start3A_111 : memref<1x32x128xf32, #tpu.memory_space<hbm>> -> memref<32x128xf32, #tpu.memory_space<hbm>>
      %dma_start3A_113 = arith.constant 0 : i32
      %dma_start3A_114 = tpu.memref_slice %arg3[%select_n3A, %dma_start3A_113, %add3A_106] : memref<26x32x16384xf32, #tpu.memory_space<hbm>> -> memref<1x32x128xf32, #tpu.memory_space<hbm>>
      %dma_start3A_115 = tpu.memref_squeeze %dma_start3A_114 : memref<1x32x128xf32, #tpu.memory_space<hbm>> -> memref<32x128xf32, #tpu.memory_space<hbm>>
      %dma_start3A_116 = arith.constant 0 : i32
      %dma_start3A_117 = arith.constant 0 : i32
      %dma_start3A_118 = tpu.memref_slice %arg8[%dma_start3A_116, %dma_start3A_117] : memref<32x129xf32, #tpu.memory_space<vmem>> -> memref<32x128xf32, #tpu.memory_space<vmem>>
      tpu.enqueue_dma source(%dma_start3A_118 : memref<32x128xf32, #tpu.memory_space<vmem>>) target(%dma_start3A_115 : memref<32x128xf32, #tpu.memory_space<hbm>>) target_semaphore(%arg12 : memref<!tpu.dma_semaphore, #tpu.memory_space<semaphore_mem>>)
      %add3A_119 = arith.constant 2 : i32
      %add3A_120 = arith.addi %add3A_69, %add3A_119 : i32
      %lt3A = arith.constant 104 : i32
      %lt3A_121 = arith.cmpi slt, %add3A_120, %lt3A : i32
      %convert_element_type3A_122 = arith.extui %lt3A_121 : i1 to i32
      %cond3A_123 = arith.constant 0 : i32
      %cond3A_124 = arith.cmpi ne, %convert_element_type3A_122, %cond3A_123 : i32
      scf.if %cond3A_124 {
        %add3A_195 = arith.constant 2 : i32
        %add3A_196 = arith.addi %add3A_69, %add3A_195 : i32
        %jit3A_197 = arith.constant 4 : i32
        %div3A_198 = arith.divsi %add3A_196, %jit3A_197 : i32
        %sign3A_199 = arith.constant 0 : i32
        %sign3A_200 = arith.cmpi sgt, %add3A_196, %sign3A_199 : i32
        %sign3A_201 = arith.extui %sign3A_200 : i1 to i32
        %sign3A_202 = arith.constant 0 : i32
        %sign3A_203 = arith.cmpi slt, %add3A_196, %sign3A_202 : i32
        %sign3A_204 = arith.extui %sign3A_203 : i1 to i32
        %sign3A_205 = arith.subi %sign3A_201, %sign3A_204 : i32
        %sign3A_206 = arith.constant 0 : i32
        %sign3A_207 = arith.cmpi sgt, %jit3A_197, %sign3A_206 : i32
        %sign3A_208 = arith.extui %sign3A_207 : i1 to i32
        %sign3A_209 = arith.constant 0 : i32
        %sign3A_210 = arith.cmpi slt, %jit3A_197, %sign3A_209 : i32
        %sign3A_211 = arith.extui %sign3A_210 : i1 to i32
        %sign3A_212 = arith.subi %sign3A_208, %sign3A_211 : i32
        %ne3A_213 = arith.cmpi ne, %sign3A_205, %sign3A_212 : i32
        %rem3A_214 = arith.remsi %add3A_196, %jit3A_197 : i32
        %ne3A_215 = arith.constant 0 : i32
        %ne3A_216 = arith.cmpi ne, %rem3A_214, %ne3A_215 : i32
        %and3A_217 = arith.andi %ne3A_213, %ne3A_216 : i1
        %sub3A_218 = arith.constant 1 : i32
        %sub3A_219 = arith.subi %div3A_198, %sub3A_218 : i32
        %select_n3A_220 = arith.select %and3A_217, %sub3A_219, %div3A_198 : i32
        %rem3A_221 = arith.constant 4 : i32
        %rem3A_222 = arith.remsi %add3A_196, %rem3A_221 : i32
        %mul3A_223 = arith.constant 128 : i32
        %mul3A_224 = arith.muli %rem3A_222, %mul3A_223 : i32
        %dma_start3A_225 = tpu.memref_slice %arg5[%select_n3A_220, %mul3A_224] : memref<26x520xi32, #tpu.memory_space<vmem>> -> memref<1x128xi32, #tpu.memory_space<vmem>>
        %dma_start3A_226 = tpu.memref_squeeze %dma_start3A_225 : memref<1x128xi32, #tpu.memory_space<vmem>> -> memref<128xi32, #tpu.memory_space<vmem>>
        %dma_start3A_227 = arith.constant 0 : i32
        %dma_start3A_228 = arith.constant 0 : i32
        %dma_start3A_229 = tpu.memref_slice %arg2[%dma_start3A_227, %dma_start3A_228] : memref<1016384x32xf32, #tpu.memory_space<hbm>> -> memref<1016384x32xf32, #tpu.memory_space<hbm>>
        tpu.enqueue_indirect_dma source(%dma_start3A_229 : memref<1016384x32xf32, #tpu.memory_space<hbm>>) target(%arg6 : memref<128x32xf32, #tpu.memory_space<vmem>>) offsets(%dma_start3A_226 : memref<128xi32, #tpu.memory_space<vmem>>) semaphore(%arg10 : memref<!tpu.dma_semaphore, #tpu.memory_space<semaphore_mem>>)
      } else {
      }
      %mul3A_125 = arith.constant 2 : i32
      %mul3A_126 = arith.muli %mul3A_125, %scan3A_65 : i32
      %add3A_127 = arith.constant 1 : i32
      %add3A_128 = arith.addi %mul3A_126, %add3A_127 : i32
      %dma_wait3A_129 = arith.constant 0 : i32
      %dma_wait3A_130 = arith.constant 0 : i32
      %dma_wait3A_131 = tpu.memref_slice %arg5[%dma_wait3A_129, %dma_wait3A_130] : memref<26x520xi32, #tpu.memory_space<vmem>> -> memref<1x128xi32, #tpu.memory_space<vmem>>
      %dma_wait3A_132 = tpu.memref_squeeze %dma_wait3A_131 : memref<1x128xi32, #tpu.memory_space<vmem>> -> memref<128xi32, #tpu.memory_space<vmem>>
      %dma_wait3A_133 = arith.constant 0 : i32
      %dma_wait3A_134 = arith.constant 0 : i32
      %dma_wait3A_135 = tpu.memref_slice %arg2[%dma_wait3A_133, %dma_wait3A_134] : memref<1016384x32xf32, #tpu.memory_space<hbm>> -> memref<1016384x32xf32, #tpu.memory_space<hbm>>
      tpu.wait_indirect_dma semaphore(%arg11 : memref<!tpu.dma_semaphore, #tpu.memory_space<semaphore_mem>>) src(%dma_wait3A_135 : memref<1016384x32xf32, #tpu.memory_space<hbm>>) dst(%arg7 : memref<128x32xf32, #tpu.memory_space<vmem>>)
      %ge3A_136 = arith.constant 2 : i32
      %ge3A_137 = arith.cmpi sge, %add3A_128, %ge3A_136 : i32
      %convert_element_type3A_138 = arith.extui %ge3A_137 : i1 to i32
      %cond3A_139 = arith.constant 0 : i32
      %cond3A_140 = arith.cmpi ne, %convert_element_type3A_138, %cond3A_139 : i32
      scf.if %cond3A_140 {
        %dma_wait3A_195 = arith.constant 0 : i32
        %dma_wait3A_196 = arith.constant 0 : i32
        %dma_wait3A_197 = arith.constant 0 : i32
        %dma_wait3A_198 = tpu.memref_slice %arg9[%dma_wait3A_196, %dma_wait3A_197] : memref<32x129xf32, #tpu.memory_space<vmem>> -> memref<32x128xf32, #tpu.memory_space<vmem>>
        %dma_wait3A_199 = arith.constant 0 : i32
        %dma_wait3A_200 = arith.constant 0 : i32
        %dma_wait3A_201 = tpu.memref_slice %arg3[%dma_wait3A_195, %dma_wait3A_199, %dma_wait3A_200] : memref<26x32x16384xf32, #tpu.memory_space<hbm>> -> memref<1x32x128xf32, #tpu.memory_space<hbm>>
        %dma_wait3A_202 = tpu.memref_squeeze %dma_wait3A_201 : memref<1x32x128xf32, #tpu.memory_space<hbm>> -> memref<32x128xf32, #tpu.memory_space<hbm>>
        %dma_wait3A_203 = arith.constant 0 : i32
        %dma_wait3A_204 = arith.constant 0 : i32
        %dma_wait3A_205 = tpu.memref_slice %arg3[%dma_wait3A_195, %dma_wait3A_203, %dma_wait3A_204] : memref<26x32x16384xf32, #tpu.memory_space<hbm>> -> memref<1x32x128xf32, #tpu.memory_space<hbm>>
        %dma_wait3A_206 = tpu.memref_squeeze %dma_wait3A_205 : memref<1x32x128xf32, #tpu.memory_space<hbm>> -> memref<32x128xf32, #tpu.memory_space<hbm>>
        %dma_wait3A_207 = arith.constant 0 : i32
        %dma_wait3A_208 = arith.constant 0 : i32
        %dma_wait3A_209 = tpu.memref_slice %arg9[%dma_wait3A_207, %dma_wait3A_208] : memref<32x129xf32, #tpu.memory_space<vmem>> -> memref<32x128xf32, #tpu.memory_space<vmem>>
        tpu.wait_dma2 semaphore(%arg13 : memref<!tpu.dma_semaphore, #tpu.memory_space<semaphore_mem>>) src(%dma_wait3A_209 : memref<32x128xf32, #tpu.memory_space<vmem>>) dst(%dma_wait3A_206 : memref<32x128xf32, #tpu.memory_space<hbm>>)
      } else {
      }
      %scan3A_141 = arith.constant 0 : i32
      %scan3A_142 = arith.constant 0 : i32
      %scan3A_143 = arith.constant 16 : i32
      %scan3A_144 = arith.addi %scan3A_142, %scan3A_143 : i32
      %scan3A_145 = arith.constant 1 : i32
      scf.for %scan3A_195 = %scan3A_142 to %scan3A_144 step %scan3A_145  : i32 {
        %mul3A_196 = arith.constant 8 : i32
        %mul3A_197 = arith.muli %scan3A_195, %mul3A_196 : i32
        %add3A_198 = arith.constant 0 : i32
        %add3A_199 = arith.addi %mul3A_197, %add3A_198 : i32
        %broadcast_in_dim3A = vector.broadcast %add3A_199 : i32 to vector<16xi32>
        %get3A = arith.index_cast %add3A_199 : i32 to index
        %get3A_200 = arith.constant 0 : index
        %get3A_201 = tpu.vector_load %arg7[%get3A, %get3A_200] {strides = array<i32>} : memref<128x32xf32, #tpu.memory_space<vmem>>, vector<16xf32>,
        %get3A_202 = arith.index_cast %add3A_199 : i32 to index
        %get3A_203 = arith.constant 16 : index
        %get3A_204 = tpu.vector_load %arg7[%get3A_202, %get3A_203] {strides = array<i32>} : memref<128x32xf32, #tpu.memory_space<vmem>>, vector<16xf32>,
        tpu.vector_store_idx %arg9[%iota3A, %broadcast_in_dim3A], %get3A_201 : memref<32x129xf32, #tpu.memory_space<vmem>>[vector<16xi32>, vector<16xi32>], vector<16xf32>,
        %add3A_205 = arith.constant 16 : i32
        %add3A_206 = vector.broadcast %add3A_205 : i32 to vector<16xi32>
        %add3A_207 = arith.addi %iota3A, %add3A_206 : vector<16xi32>
        tpu.vector_store_idx %arg9[%add3A_207, %broadcast_in_dim3A], %get3A_204 : memref<32x129xf32, #tpu.memory_space<vmem>>[vector<16xi32>, vector<16xi32>], vector<16xf32>,
        %mul3A_208 = arith.constant 8 : i32
        %mul3A_209 = arith.muli %scan3A_195, %mul3A_208 : i32
        %add3A_210 = arith.constant 1 : i32
        %add3A_211 = arith.addi %mul3A_209, %add3A_210 : i32
        %broadcast_in_dim3A_212 = vector.broadcast %add3A_211 : i32 to vector<16xi32>
        %get3A_213 = arith.index_cast %add3A_211 : i32 to index
        %get3A_214 = arith.constant 0 : index
        %get3A_215 = tpu.vector_load %arg7[%get3A_213, %get3A_214] {strides = array<i32>} : memref<128x32xf32, #tpu.memory_space<vmem>>, vector<16xf32>,
        %get3A_216 = arith.index_cast %add3A_211 : i32 to index
        %get3A_217 = arith.constant 16 : index
        %get3A_218 = tpu.vector_load %arg7[%get3A_216, %get3A_217] {strides = array<i32>} : memref<128x32xf32, #tpu.memory_space<vmem>>, vector<16xf32>,
        tpu.vector_store_idx %arg9[%iota3A, %broadcast_in_dim3A_212], %get3A_215 : memref<32x129xf32, #tpu.memory_space<vmem>>[vector<16xi32>, vector<16xi32>], vector<16xf32>,
        %add3A_219 = arith.constant 16 : i32
        %add3A_220 = vector.broadcast %add3A_219 : i32 to vector<16xi32>
        %add3A_221 = arith.addi %iota3A, %add3A_220 : vector<16xi32>
        tpu.vector_store_idx %arg9[%add3A_221, %broadcast_in_dim3A_212], %get3A_218 : memref<32x129xf32, #tpu.memory_space<vmem>>[vector<16xi32>, vector<16xi32>], vector<16xf32>,
        %mul3A_222 = arith.constant 8 : i32
        %mul3A_223 = arith.muli %scan3A_195, %mul3A_222 : i32
        %add3A_224 = arith.constant 2 : i32
        %add3A_225 = arith.addi %mul3A_223, %add3A_224 : i32
        %broadcast_in_dim3A_226 = vector.broadcast %add3A_225 : i32 to vector<16xi32>
        %get3A_227 = arith.index_cast %add3A_225 : i32 to index
        %get3A_228 = arith.constant 0 : index
        %get3A_229 = tpu.vector_load %arg7[%get3A_227, %get3A_228] {strides = array<i32>} : memref<128x32xf32, #tpu.memory_space<vmem>>, vector<16xf32>,
        %get3A_230 = arith.index_cast %add3A_225 : i32 to index
        %get3A_231 = arith.constant 16 : index
        %get3A_232 = tpu.vector_load %arg7[%get3A_230, %get3A_231] {strides = array<i32>} : memref<128x32xf32, #tpu.memory_space<vmem>>, vector<16xf32>,
        tpu.vector_store_idx %arg9[%iota3A, %broadcast_in_dim3A_226], %get3A_229 : memref<32x129xf32, #tpu.memory_space<vmem>>[vector<16xi32>, vector<16xi32>], vector<16xf32>,
        %add3A_233 = arith.constant 16 : i32
        %add3A_234 = vector.broadcast %add3A_233 : i32 to vector<16xi32>
        %add3A_235 = arith.addi %iota3A, %add3A_234 : vector<16xi32>
        tpu.vector_store_idx %arg9[%add3A_235, %broadcast_in_dim3A_226], %get3A_232 : memref<32x129xf32, #tpu.memory_space<vmem>>[vector<16xi32>, vector<16xi32>], vector<16xf32>,
        %mul3A_236 = arith.constant 8 : i32
        %mul3A_237 = arith.muli %scan3A_195, %mul3A_236 : i32
        %add3A_238 = arith.constant 3 : i32
        %add3A_239 = arith.addi %mul3A_237, %add3A_238 : i32
        %broadcast_in_dim3A_240 = vector.broadcast %add3A_239 : i32 to vector<16xi32>
        %get3A_241 = arith.index_cast %add3A_239 : i32 to index
        %get3A_242 = arith.constant 0 : index
        %get3A_243 = tpu.vector_load %arg7[%get3A_241, %get3A_242] {strides = array<i32>} : memref<128x32xf32, #tpu.memory_space<vmem>>, vector<16xf32>,
        %get3A_244 = arith.index_cast %add3A_239 : i32 to index
        %get3A_245 = arith.constant 16 : index
        %get3A_246 = tpu.vector_load %arg7[%get3A_244, %get3A_245] {strides = array<i32>} : memref<128x32xf32, #tpu.memory_space<vmem>>, vector<16xf32>,
        tpu.vector_store_idx %arg9[%iota3A, %broadcast_in_dim3A_240], %get3A_243 : memref<32x129xf32, #tpu.memory_space<vmem>>[vector<16xi32>, vector<16xi32>], vector<16xf32>,
        %add3A_247 = arith.constant 16 : i32
        %add3A_248 = vector.broadcast %add3A_247 : i32 to vector<16xi32>
        %add3A_249 = arith.addi %iota3A, %add3A_248 : vector<16xi32>
        tpu.vector_store_idx %arg9[%add3A_249, %broadcast_in_dim3A_240], %get3A_246 : memref<32x129xf32, #tpu.memory_space<vmem>>[vector<16xi32>, vector<16xi32>], vector<16xf32>,
        %mul3A_250 = arith.constant 8 : i32
        %mul3A_251 = arith.muli %scan3A_195, %mul3A_250 : i32
        %add3A_252 = arith.constant 4 : i32
        %add3A_253 = arith.addi %mul3A_251, %add3A_252 : i32
        %broadcast_in_dim3A_254 = vector.broadcast %add3A_253 : i32 to vector<16xi32>
        %get3A_255 = arith.index_cast %add3A_253 : i32 to index
        %get3A_256 = arith.constant 0 : index
        %get3A_257 = tpu.vector_load %arg7[%get3A_255, %get3A_256] {strides = array<i32>} : memref<128x32xf32, #tpu.memory_space<vmem>>, vector<16xf32>,
        %get3A_258 = arith.index_cast %add3A_253 : i32 to index
        %get3A_259 = arith.constant 16 : index
        %get3A_260 = tpu.vector_load %arg7[%get3A_258, %get3A_259] {strides = array<i32>} : memref<128x32xf32, #tpu.memory_space<vmem>>, vector<16xf32>,
        tpu.vector_store_idx %arg9[%iota3A, %broadcast_in_dim3A_254], %get3A_257 : memref<32x129xf32, #tpu.memory_space<vmem>>[vector<16xi32>, vector<16xi32>], vector<16xf32>,
        %add3A_261 = arith.constant 16 : i32
        %add3A_262 = vector.broadcast %add3A_261 : i32 to vector<16xi32>
        %add3A_263 = arith.addi %iota3A, %add3A_262 : vector<16xi32>
        tpu.vector_store_idx %arg9[%add3A_263, %broadcast_in_dim3A_254], %get3A_260 : memref<32x129xf32, #tpu.memory_space<vmem>>[vector<16xi32>, vector<16xi32>], vector<16xf32>,
        %mul3A_264 = arith.constant 8 : i32
        %mul3A_265 = arith.muli %scan3A_195, %mul3A_264 : i32
        %add3A_266 = arith.constant 5 : i32
        %add3A_267 = arith.addi %mul3A_265, %add3A_266 : i32
        %broadcast_in_dim3A_268 = vector.broadcast %add3A_267 : i32 to vector<16xi32>
        %get3A_269 = arith.index_cast %add3A_267 : i32 to index
        %get3A_270 = arith.constant 0 : index
        %get3A_271 = tpu.vector_load %arg7[%get3A_269, %get3A_270] {strides = array<i32>} : memref<128x32xf32, #tpu.memory_space<vmem>>, vector<16xf32>,
        %get3A_272 = arith.index_cast %add3A_267 : i32 to index
        %get3A_273 = arith.constant 16 : index
        %get3A_274 = tpu.vector_load %arg7[%get3A_272, %get3A_273] {strides = array<i32>} : memref<128x32xf32, #tpu.memory_space<vmem>>, vector<16xf32>,
        tpu.vector_store_idx %arg9[%iota3A, %broadcast_in_dim3A_268], %get3A_271 : memref<32x129xf32, #tpu.memory_space<vmem>>[vector<16xi32>, vector<16xi32>], vector<16xf32>,
        %add3A_275 = arith.constant 16 : i32
        %add3A_276 = vector.broadcast %add3A_275 : i32 to vector<16xi32>
        %add3A_277 = arith.addi %iota3A, %add3A_276 : vector<16xi32>
        tpu.vector_store_idx %arg9[%add3A_277, %broadcast_in_dim3A_268], %get3A_274 : memref<32x129xf32, #tpu.memory_space<vmem>>[vector<16xi32>, vector<16xi32>], vector<16xf32>,
        %mul3A_278 = arith.constant 8 : i32
        %mul3A_279 = arith.muli %scan3A_195, %mul3A_278 : i32
        %add3A_280 = arith.constant 6 : i32
        %add3A_281 = arith.addi %mul3A_279, %add3A_280 : i32
        %broadcast_in_dim3A_282 = vector.broadcast %add3A_281 : i32 to vector<16xi32>
        %get3A_283 = arith.index_cast %add3A_281 : i32 to index
        %get3A_284 = arith.constant 0 : index
        %get3A_285 = tpu.vector_load %arg7[%get3A_283, %get3A_284] {strides = array<i32>} : memref<128x32xf32, #tpu.memory_space<vmem>>, vector<16xf32>,
        %get3A_286 = arith.index_cast %add3A_281 : i32 to index
        %get3A_287 = arith.constant 16 : index
        %get3A_288 = tpu.vector_load %arg7[%get3A_286, %get3A_287] {strides = array<i32>} : memref<128x32xf32, #tpu.memory_space<vmem>>, vector<16xf32>,
        tpu.vector_store_idx %arg9[%iota3A, %broadcast_in_dim3A_282], %get3A_285 : memref<32x129xf32, #tpu.memory_space<vmem>>[vector<16xi32>, vector<16xi32>], vector<16xf32>,
        %add3A_289 = arith.constant 16 : i32
        %add3A_290 = vector.broadcast %add3A_289 : i32 to vector<16xi32>
        %add3A_291 = arith.addi %iota3A, %add3A_290 : vector<16xi32>
        tpu.vector_store_idx %arg9[%add3A_291, %broadcast_in_dim3A_282], %get3A_288 : memref<32x129xf32, #tpu.memory_space<vmem>>[vector<16xi32>, vector<16xi32>], vector<16xf32>,
        %mul3A_292 = arith.constant 8 : i32
        %mul3A_293 = arith.muli %scan3A_195, %mul3A_292 : i32
        %add3A_294 = arith.constant 7 : i32
        %add3A_295 = arith.addi %mul3A_293, %add3A_294 : i32
        %broadcast_in_dim3A_296 = vector.broadcast %add3A_295 : i32 to vector<16xi32>
        %get3A_297 = arith.index_cast %add3A_295 : i32 to index
        %get3A_298 = arith.constant 0 : index
        %get3A_299 = tpu.vector_load %arg7[%get3A_297, %get3A_298] {strides = array<i32>} : memref<128x32xf32, #tpu.memory_space<vmem>>, vector<16xf32>,
        %get3A_300 = arith.index_cast %add3A_295 : i32 to index
        %get3A_301 = arith.constant 16 : index
        %get3A_302 = tpu.vector_load %arg7[%get3A_300, %get3A_301] {strides = array<i32>} : memref<128x32xf32, #tpu.memory_space<vmem>>, vector<16xf32>,
        tpu.vector_store_idx %arg9[%iota3A, %broadcast_in_dim3A_296], %get3A_299 : memref<32x129xf32, #tpu.memory_space<vmem>>[vector<16xi32>, vector<16xi32>], vector<16xf32>,
        %add3A_303 = arith.constant 16 : i32
        %add3A_304 = vector.broadcast %add3A_303 : i32 to vector<16xi32>
        %add3A_305 = arith.addi %iota3A, %add3A_304 : vector<16xi32>
        tpu.vector_store_idx %arg9[%add3A_305, %broadcast_in_dim3A_296], %get3A_302 : memref<32x129xf32, #tpu.memory_space<vmem>>[vector<16xi32>, vector<16xi32>], vector<16xf32>,
      }
      %scan3A_146 = arith.constant 16 : i32
      %jit3A_147 = arith.constant 4 : i32
      %div3A_148 = arith.divsi %add3A_128, %jit3A_147 : i32
      %sign3A_149 = arith.constant 0 : i32
      %sign3A_150 = arith.cmpi sgt, %add3A_128, %sign3A_149 : i32
      %sign3A_151 = arith.extui %sign3A_150 : i1 to i32
      %sign3A_152 = arith.constant 0 : i32
      %sign3A_153 = arith.cmpi slt, %add3A_128, %sign3A_152 : i32
      %sign3A_154 = arith.extui %sign3A_153 : i1 to i32
      %sign3A_155 = arith.subi %sign3A_151, %sign3A_154 : i32
      %sign3A_156 = arith.constant 0 : i32
      %sign3A_157 = arith.cmpi sgt, %jit3A_147, %sign3A_156 : i32
      %sign3A_158 = arith.extui %sign3A_157 : i1 to i32
      %sign3A_159 = arith.constant 0 : i32
      %sign3A_160 = arith.cmpi slt, %jit3A_147, %sign3A_159 : i32
      %sign3A_161 = arith.extui %sign3A_160 : i1 to i32
      %sign3A_162 = arith.subi %sign3A_158, %sign3A_161 : i32
      %ne3A_163 = arith.cmpi ne, %sign3A_155, %sign3A_162 : i32
      %rem3A_164 = arith.remsi %add3A_128, %jit3A_147 : i32
      %ne3A_165 = arith.constant 0 : i32
      %ne3A_166 = arith.cmpi ne, %rem3A_164, %ne3A_165 : i32
      %and3A_167 = arith.andi %ne3A_163, %ne3A_166 : i1
      %sub3A_168 = arith.constant 1 : i32
      %sub3A_169 = arith.subi %div3A_148, %sub3A_168 : i32
      %select_n3A_170 = arith.select %and3A_167, %sub3A_169, %div3A_148 : i32
      %rem3A_171 = arith.constant 4 : i32
      %rem3A_172 = arith.remsi %add3A_128, %rem3A_171 : i32
      %mul3A_173 = arith.constant 128 : i32
      %mul3A_174 = arith.muli %rem3A_172, %mul3A_173 : i32
      %add3A_175 = arith.addi %mul3A_2, %mul3A_174 : i32
      %dma_start3A_176 = arith.constant 0 : i32
      %dma_start3A_177 = arith.constant 0 : i32
      %dma_start3A_178 = tpu.memref_slice %arg9[%dma_start3A_176, %dma_start3A_177] : memref<32x129xf32, #tpu.memory_space<vmem>> -> memref<32x128xf32, #tpu.memory_space<vmem>>
      %dma_start3A_179 = arith.constant 0 : i32
      %dma_start3A_180 = tpu.memref_slice %arg3[%select_n3A_170, %dma_start3A_179, %add3A_175] : memref<26x32x16384xf32, #tpu.memory_space<hbm>> -> memref<1x32x128xf32, #tpu.memory_space<hbm>>
      %dma_start3A_181 = tpu.memref_squeeze %dma_start3A_180 : memref<1x32x128xf32, #tpu.memory_space<hbm>> -> memref<32x128xf32, #tpu.memory_space<hbm>>
      %dma_start3A_182 = arith.constant 0 : i32
      %dma_start3A_183 = tpu.memref_slice %arg3[%select_n3A_170, %dma_start3A_182, %add3A_175] : memref<26x32x16384xf32, #tpu.memory_space<hbm>> -> memref<1x32x128xf32, #tpu.memory_space<hbm>>
      %dma_start3A_184 = tpu.memref_squeeze %dma_start3A_183 : memref<1x32x128xf32, #tpu.memory_space<hbm>> -> memref<32x128xf32, #tpu.memory_space<hbm>>
      %dma_start3A_185 = arith.constant 0 : i32
      %dma_start3A_186 = arith.constant 0 : i32
      %dma_start3A_187 = tpu.memref_slice %arg9[%dma_start3A_185, %dma_start3A_186] : memref<32x129xf32, #tpu.memory_space<vmem>> -> memref<32x128xf32, #tpu.memory_space<vmem>>
      tpu.enqueue_dma source(%dma_start3A_187 : memref<32x128xf32, #tpu.memory_space<vmem>>) target(%dma_start3A_184 : memref<32x128xf32, #tpu.memory_space<hbm>>) target_semaphore(%arg13 : memref<!tpu.dma_semaphore, #tpu.memory_space<semaphore_mem>>)
      %add3A_188 = arith.constant 2 : i32
      %add3A_189 = arith.addi %add3A_128, %add3A_188 : i32
      %lt3A_190 = arith.constant 104 : i32
      %lt3A_191 = arith.cmpi slt, %add3A_189, %lt3A_190 : i32
      %convert_element_type3A_192 = arith.extui %lt3A_191 : i1 to i32
      %cond3A_193 = arith.constant 0 : i32
      %cond3A_194 = arith.cmpi ne, %convert_element_type3A_192, %cond3A_193 : i32
      scf.if %cond3A_194 {
        %add3A_195 = arith.constant 2 : i32
        %add3A_196 = arith.addi %add3A_128, %add3A_195 : i32
        %jit3A_197 = arith.constant 4 : i32
        %div3A_198 = arith.divsi %add3A_196, %jit3A_197 : i32
        %sign3A_199 = arith.constant 0 : i32
        %sign3A_200 = arith.cmpi sgt, %add3A_196, %sign3A_199 : i32
        %sign3A_201 = arith.extui %sign3A_200 : i1 to i32
        %sign3A_202 = arith.constant 0 : i32
        %sign3A_203 = arith.cmpi slt, %add3A_196, %sign3A_202 : i32
        %sign3A_204 = arith.extui %sign3A_203 : i1 to i32
        %sign3A_205 = arith.subi %sign3A_201, %sign3A_204 : i32
        %sign3A_206 = arith.constant 0 : i32
        %sign3A_207 = arith.cmpi sgt, %jit3A_197, %sign3A_206 : i32
        %sign3A_208 = arith.extui %sign3A_207 : i1 to i32
        %sign3A_209 = arith.constant 0 : i32
        %sign3A_210 = arith.cmpi slt, %jit3A_197, %sign3A_209 : i32
        %sign3A_211 = arith.extui %sign3A_210 : i1 to i32
        %sign3A_212 = arith.subi %sign3A_208, %sign3A_211 : i32
        %ne3A_213 = arith.cmpi ne, %sign3A_205, %sign3A_212 : i32
        %rem3A_214 = arith.remsi %add3A_196, %jit3A_197 : i32
        %ne3A_215 = arith.constant 0 : i32
        %ne3A_216 = arith.cmpi ne, %rem3A_214, %ne3A_215 : i32
        %and3A_217 = arith.andi %ne3A_213, %ne3A_216 : i1
        %sub3A_218 = arith.constant 1 : i32
        %sub3A_219 = arith.subi %div3A_198, %sub3A_218 : i32
        %select_n3A_220 = arith.select %and3A_217, %sub3A_219, %div3A_198 : i32
        %rem3A_221 = arith.constant 4 : i32
        %rem3A_222 = arith.remsi %add3A_196, %rem3A_221 : i32
        %mul3A_223 = arith.constant 128 : i32
        %mul3A_224 = arith.muli %rem3A_222, %mul3A_223 : i32
        %dma_start3A_225 = tpu.memref_slice %arg5[%select_n3A_220, %mul3A_224] : memref<26x520xi32, #tpu.memory_space<vmem>> -> memref<1x128xi32, #tpu.memory_space<vmem>>
        %dma_start3A_226 = tpu.memref_squeeze %dma_start3A_225 : memref<1x128xi32, #tpu.memory_space<vmem>> -> memref<128xi32, #tpu.memory_space<vmem>>
        %dma_start3A_227 = arith.constant 0 : i32
        %dma_start3A_228 = arith.constant 0 : i32
        %dma_start3A_229 = tpu.memref_slice %arg2[%dma_start3A_227, %dma_start3A_228] : memref<1016384x32xf32, #tpu.memory_space<hbm>> -> memref<1016384x32xf32, #tpu.memory_space<hbm>>
        tpu.enqueue_indirect_dma source(%dma_start3A_229 : memref<1016384x32xf32, #tpu.memory_space<hbm>>) target(%arg7 : memref<128x32xf32, #tpu.memory_space<vmem>>) offsets(%dma_start3A_226 : memref<128xi32, #tpu.memory_space<vmem>>) semaphore(%arg11 : memref<!tpu.dma_semaphore, #tpu.memory_space<semaphore_mem>>)
      } else {
      }
    }
    %scan3A_35 = arith.constant 52 : i32
    %dma_wait3A = arith.constant 0 : i32
    %dma_wait3A_36 = arith.constant 0 : i32
    %dma_wait3A_37 = arith.constant 0 : i32
    %dma_wait3A_38 = tpu.memref_slice %arg8[%dma_wait3A_36, %dma_wait3A_37] : memref<32x129xf32, #tpu.memory_space<vmem>> -> memref<32x128xf32, #tpu.memory_space<vmem>>
    %dma_wait3A_39 = arith.constant 0 : i32
    %dma_wait3A_40 = arith.constant 0 : i32
    %dma_wait3A_41 = tpu.memref_slice %arg3[%dma_wait3A, %dma_wait3A_39, %dma_wait3A_40] : memref<26x32x16384xf32, #tpu.memory_space<hbm>> -> memref<1x32x128xf32, #tpu.memory_space<hbm>>
    %dma_wait3A_42 = tpu.memref_squeeze %dma_wait3A_41 : memref<1x32x128xf32, #tpu.memory_space<hbm>> -> memref<32x128xf32, #tpu.memory_space<hbm>>
    %dma_wait3A_43 = arith.constant 0 : i32
    %dma_wait3A_44 = arith.constant 0 : i32
    %dma_wait3A_45 = tpu.memref_slice %arg3[%dma_wait3A, %dma_wait3A_43, %dma_wait3A_44] : memref<26x32x16384xf32, #tpu.memory_space<hbm>> -> memref<1x32x128xf32, #tpu.memory_space<hbm>>
    %dma_wait3A_46 = tpu.memref_squeeze %dma_wait3A_45 : memref<1x32x128xf32, #tpu.memory_space<hbm>> -> memref<32x128xf32, #tpu.memory_space<hbm>>
    %dma_wait3A_47 = arith.constant 0 : i32
    %dma_wait3A_48 = arith.constant 0 : i32
    %dma_wait3A_49 = tpu.memref_slice %arg8[%dma_wait3A_47, %dma_wait3A_48] : memref<32x129xf32, #tpu.memory_space<vmem>> -> memref<32x128xf32, #tpu.memory_space<vmem>>
    tpu.wait_dma2 semaphore(%arg12 : memref<!tpu.dma_semaphore, #tpu.memory_space<semaphore_mem>>) src(%dma_wait3A_49 : memref<32x128xf32, #tpu.memory_space<vmem>>) dst(%dma_wait3A_46 : memref<32x128xf32, #tpu.memory_space<hbm>>)
    %dma_wait3A_50 = arith.constant 0 : i32
    %dma_wait3A_51 = arith.constant 0 : i32
    %dma_wait3A_52 = arith.constant 0 : i32
    %dma_wait3A_53 = tpu.memref_slice %arg9[%dma_wait3A_51, %dma_wait3A_52] : memref<32x129xf32, #tpu.memory_space<vmem>> -> memref<32x128xf32, #tpu.memory_space<vmem>>
    %dma_wait3A_54 = arith.constant 0 : i32
    %dma_wait3A_55 = arith.constant 0 : i32
    %dma_wait3A_56 = tpu.memref_slice %arg3[%dma_wait3A_50, %dma_wait3A_54, %dma_wait3A_55] : memref<26x32x16384xf32, #tpu.memory_space<hbm>> -> memref<1x32x128xf32, #tpu.memory_space<hbm>>
    %dma_wait3A_57 = tpu.memref_squeeze %dma_wait3A_56 : memref<1x32x128xf32, #tpu.memory_space<hbm>> -> memref<32x128xf32, #tpu.memory_space<hbm>>
    %dma_wait3A_58 = arith.constant 0 : i32
    %dma_wait3A_59 = arith.constant 0 : i32
    %dma_wait3A_60 = tpu.memref_slice %arg3[%dma_wait3A_50, %dma_wait3A_58, %dma_wait3A_59] : memref<26x32x16384xf32, #tpu.memory_space<hbm>> -> memref<1x32x128xf32, #tpu.memory_space<hbm>>
    %dma_wait3A_61 = tpu.memref_squeeze %dma_wait3A_60 : memref<1x32x128xf32, #tpu.memory_space<hbm>> -> memref<32x128xf32, #tpu.memory_space<hbm>>
    %dma_wait3A_62 = arith.constant 0 : i32
    %dma_wait3A_63 = arith.constant 0 : i32
    %dma_wait3A_64 = tpu.memref_slice %arg9[%dma_wait3A_62, %dma_wait3A_63] : memref<32x129xf32, #tpu.memory_space<vmem>> -> memref<32x128xf32, #tpu.memory_space<vmem>>
    tpu.wait_dma2 semaphore(%arg13 : memref<!tpu.dma_semaphore, #tpu.memory_space<semaphore_mem>>) src(%dma_wait3A_64 : memref<32x128xf32, #tpu.memory_space<vmem>>) dst(%dma_wait3A_61 : memref<32x128xf32, #tpu.memory_space<hbm>>)
    return
  }
}

</mosaic_0001>

<sc_bundles>
// kernel: kernel.3.cloned.1.call-start
scs
__scs_entry_jumppad:
0x0: {  	(pc) =	sbr.rel $0x88, $3  }
0x1: {  	(tag) =	ssettag $0x0;
	lr =	simm.s32 $0x1  }
0x2: {  	[smem:$0x3F9F] =	sst lr;
	_ =	strace $0xD0000000  }
0x3: {  	_ = 	snop  }
0x4: {  	_ = 	snop  }
0x5: {  	_ = 	snop  }
0x6: {  	_ = 	snop  }
0x7: {  	_ = 	snop  }
__scs_overlays_trampoline_lowered:
0x8: {  	[smem:$0x3FAE] =	sst s0  }
0x9: {  	[smem:$0x3FAF] =	sst s1  }
0xa: {  	[smem:$0x3FB0] =	sst s2  }
0xb: {  	[smem:$0x3FB1] =	sst s3  }
0xc: {  	[smem:$0x3FB2] =	sst s4  }
0xd: {  	[smem:$0x3FB3] =	sst s5  }
0xe: {  	[smem:$0x3FB4] =	sst s6  }
0xf: {  	[smem:$0x3FB5] =	sst s7  }
0x10: {  	[smem:$0x3FB6] =	sst s8  }
0x11: {  	[smem:$0x3FB7] =	sst s9;
	s0 =	simm.s32 @!p0 $0x0  }
0x12: {  	s1 =	sld [smem:$0x3F9D];
	s0 =	simm.s32 @p0 $0x1  }
0x13: {  	[smem:$0x3FB8] =	sst s0;
	s0 =	simm.s32 @!p1 $0x0  }
0x14: {  	s2 =	sld [smem:$0x3F9C];
	s0 =	simm.s32 @p1 $0x1  }
0x15: {  	[smem:$0x3FB9] =	sst s0;
	s0 =	simm.s32 @!p2 $0x0  }
0x16: {  	s3 =	sld [smem:$0x3FDB];
	s0 =	simm.s32 @p2 $0x1  }
0x17: {  	s4 =	simm.s32 $0x1BF5;
	[smem:$0x3FBB] =	sst s0  }
0x18: {  	s0 =	sld [smem:$0x3F9E];
	_ =	swait.ge [sflag:s4], $0x0  }
0x19: {  	s7 =	sld [smem:$0x3F9F]  }
0x1a: {  	s8 =	sadd.s32 $0xFFFFE003, lr  }
0x1b: {  	s9 =	sadd.s32 $0xFFFFFEF7, lr;
	s5 =	simm.s32 $0xFFFFFFFF;
	p2 =	slt.u32 s8, $0xFFFFF086  }
0x1c: {  	p1 =	slt.u32 s9, $0xF7A;
	s5 =	simm.s32 @!p2 $0x0  }
0x1d: {  	s5 =	simm.s32 @p1 $0x1;
	p0 =	seq.s32 s7, s2  }
0x1e: {  	s7 =	smul.u32 @!p0 $0xF7A, s2;
	p2 =	seq.s32 @!p0 s5, $0x0  }
0x1f: {  	s9 =	smul.u32 $0xF7A, s1;
	s8 =	simm.s32 @!p0 $0x1BF5;
	p2 =	por !p2, p0  }
0x20: {  	[sflag:s8] =	ssyncset.s32 @!p0 $0xFFFFF086;
	s6 =	sadd.s32 @!p0 s3, s7;
	s7 =	simm.s32 @!p0 $0x108  }
0x21: {  	s3 =	sadd.s32 s3, s9;
	s6 =	sadd.s32 @!p0 $0x88, s6;
	s7 =	simm.s32 @p2 $0x1082  }
0x22: {  	[simem:s7], [sflag:s8] =	dma.local @!p0 [hbm:s6], $0xF7A  }
0x23: {  	s9 =	sor.u32 $0xD0000000, s2;
	s6 =	simm.s32 $0x108;
	_ =	swait.ge @!p0 [sflag:s8], $0x0  }
0x24: {  	s3 =	sadd.s32 $0x88, s3;
	s6 =	simm.s32 @!p1 $0x1082;
	[sflag:s4] =	ssyncset.s32 $0xFFFFF086  }
0x25: {  	[simem:s6], [sflag:s4] =	dma.local [hbm:s3], $0xF7A  }
0x26: {  	[smem:$0x3F9F] =	sst s1;
	(tag) =	ssettag s2;
	_ =	strace s9  }
0x27: {  	s1 =	sld [smem:$0x3FAF]  }
0x28: {  	s2 =	sld [smem:$0x3FB0]  }
0x29: {  	s4 =	sld [smem:$0x3FB2]  }
0x2a: {  	p0 =	seq.s32 s5, $0x0;
	s5 =	sld [smem:$0x3FB3]  }
0x2b: {  	s6 =	sld [smem:$0x3FB4]  }
0x2c: {  	s7 =	sld [smem:$0x3FB5]  }
0x2d: {  	s3 =	simm.s32 $0x108;
	s8 =	sld [smem:$0x3FB6]  }
0x2e: {  	s3 =	simm.s32 @!p0 $0x1082;
	s9 =	sld [smem:$0x3FB7]  }
0x2f: {  	lr =	sadd.s32 s0, s3;
	s0 =	sld [smem:$0x3FAE]  }
0x30: {  	s3 =	sld [smem:$0x3FB1]  }
0x31: {  	[smem:$0x3FBA] =	sst s10  }
0x32: {  	s10 =	sld [smem:$0x3FB8];
	_ =	sdelay $0x3  }
0x33: {  	p0 =	seq.s32 s10, $0x1;
	s10 =	sld [smem:$0x3FBA];
	_ =	sdelay $0x3  }
0x34: {  	[smem:$0x3FBA] =	sst s10  }
0x35: {  	s10 =	sld [smem:$0x3FB9];
	_ =	sdelay $0x3  }
0x36: {  	p1 =	seq.s32 s10, $0x1;
	s10 =	sld [smem:$0x3FBA];
	_ =	sdelay $0x3  }
0x37: {  	[smem:$0x3FBA] =	sst s10  }
0x38: {  	s10 =	sld [smem:$0x3FBB]  }
0x39: {  	_ = 	snop;
	(pc) =	sbr.ind lr, $3  }
0x3a: {  	_ = 	snop  }
0x3b: {  	_ = 	snop  }
0x3c: {  	p2 =	seq.s32 s10, $0x1;
	s10 =	sld [smem:$0x3FBA]  }
0x3d: {  	_ =	shalt  }
0x3e: {  	_ =	shalt  }
0x3f: {  	_ =	shalt  }
0x40: {  	_ =	shalt  }
0x41: {  	_ =	shalt  }
0x42: {  	_ =	shalt  }
0x43: {  	_ =	shalt  }
0x44: {  	_ =	shalt  }
0x45: {  	_ =	shalt  }
0x46: {  	_ =	shalt  }
0x47: {  	_ =	shalt  }
0x48: {  	_ =	shalt  }
0x49: {  	_ =	shalt  }
0x4a: {  	_ =	shalt  }
0x4b: {  	_ =	shalt  }
0x4c: {  	_ =	shalt  }
0x4d: {  	_ =	shalt  }
0x4e: {  	_ =	shalt  }
0x4f: {  	_ =	shalt  }
0x50: {  	_ =	shalt  }
0x51: {  	_ =	shalt  }
0x52: {  	_ =	shalt  }
0x53: {  	_ =	shalt  }
0x54: {  	_ =	shalt  }
0x55: {  	_ =	shalt  }
0x56: {  	_ =	shalt  }
0x57: {  	_ =	shalt  }
0x58: {  	_ =	shalt  }
0x59: {  	_ =	shalt  }
0x5a: {  	_ =	shalt  }
0x5b: {  	_ =	shalt  }
0x5c: {  	_ =	shalt  }
0x5d: {  	_ =	shalt  }
0x5e: {  	_ =	shalt  }
0x5f: {  	_ =	shalt  }
0x60: {  	_ =	shalt  }
0x61: {  	_ =	shalt  }
0x62: {  	_ =	shalt  }
0x63: {  	_ =	shalt  }
0x64: {  	_ =	shalt  }
0x65: {  	_ =	shalt  }
0x66: {  	_ =	shalt  }
0x67: {  	_ =	shalt  }
0x68: {  	_ =	shalt  }
0x69: {  	_ =	shalt  }
0x6a: {  	_ =	shalt  }
0x6b: {  	_ =	shalt  }
0x6c: {  	_ =	shalt  }
0x6d: {  	_ =	shalt  }
0x6e: {  	_ =	shalt  }
0x6f: {  	_ =	shalt  }
0x70: {  	_ =	shalt  }
0x71: {  	_ =	shalt  }
0x72: {  	_ =	shalt  }
0x73: {  	_ =	shalt  }
0x74: {  	_ =	shalt  }
0x75: {  	_ =	shalt  }
0x76: {  	_ =	shalt  }
0x77: {  	_ =	shalt  }
0x78: {  	_ =	shalt  }
0x79: {  	_ =	shalt  }
0x7a: {  	_ =	shalt  }
0x7b: {  	_ =	shalt  }
0x7c: {  	_ =	shalt  }
0x7d: {  	_ =	shalt  }
0x7e: {  	_ =	shalt  }
0x7f: {  	_ =	shalt  }
0x80: {  	_ =	shalt  }
0x81: {  	_ =	shalt  }
0x82: {  	_ =	shalt  }
0x83: {  	_ =	shalt  }
0x84: {  	_ =	shalt  }
0x85: {  	_ =	shalt  }
0x86: {  	_ =	shalt  }
0x87: {  	_ =	shalt  }
.Lfunc_end0:
.L_simem_size_0:
called_computation.1_lowered:
.L_overlay_start_0:
0x88: {  	s2 =	sld [smem:$0x3FD9]  }
0x89: {  	s3 =	sld [smem:$0x3FFE];
	_ =	sdelay $0x1  }
0x8a: {  	s1 =	srdreg.scid  }
0x8b: {  	s0 =	sand.u32 $0x1, s1  }
0x8c: {  	s16 =	sshll.u32 s0, $0xA;
	s2 =	sadd.s32 s3, s2  }
0x8d: {  	s2 =	sadd.s32 s2, s16  }
0x8e: {  	[smem:$0x3FC6] =	sst s2  }
0x8f: {  	_ = 	snop  }
0x90: {  	(tm) =	ssettm $0x1  }
0x91: {  	s17 =	sld [smem:$0x3FFB];
	_ =	sdelay $0x3  }
0x92: {  	_ =	strace s17  }
0x93: {  	s2 =	sld [smem:$0x3FFC];
	_ =	sdelay $0x3  }
0x94: {  	_ =	strace s2  }
0x95: {  	s2 =	sld [smem:$0x3FFD];
	_ =	sdelay $0x3  }
0x96: {  	_ =	strace s2  }
0x97: {  	_ =	strace $0x8FFFFFFF  }
0x98: {  	s18 =	sld [smem:$0x3FDB];
	_ =	sdelay $0x1  }
0x99: {  	s19 =	simm.s32 $_scs_section_size  }
0x9a: {  	s4 =	simm.s32 $_size__tile_overlayer_lowered;
	s5 =	simm.s32 $_tile_overlayer_lowered  }
0x9b: {  	s22 =	simm.s32 $0x1BFF;
	s21 =	sshll.u32 s5, $0x1;
	s2 =	sadd.s32 s19, s18  }
0x9c: {  	s6 =	simm.s32 $0x0;
	s20 =	sshll.u32 s4, $0x1;
	s4 =	sadd.s32 s21, s2  }
0x9d: {  	[timem:s6], [sflag:s22] =	dma.local [hbm:s4], s20  }
0x9e: {  	_ =	swait.ge [sflag:s22], s20  }
0x9f: {  	s3 =	ssub.s32 $0x0, s20;
	[sflag:s22] =	ssyncset.done $0x0  }
0xa0: {  	[sflag:s22] =	ssyncadd.s32 s3;
	_ =	sdelay $0x1  }
0xa1: {  	s23 =	simm.s32 $0x1B8B  }
0xa2: {  	_ =	swait.ge [sflag:s23], $0x1  }
0xa3: {  	[sflag:s23] =	ssyncset.done $0x0  }
0xa4: {  	s25 =	simm.s32 $0x1B8E;
	s24 =	sld [smem:$0x3FFE];
	[sflag:s23] =	ssyncadd.s32 $0xFFFFFFFF  }
0xa5: {  	s26 =	simm.s32 $execute0_lowered;
	[smem:$0x3FD2] =	sst s25  }
0xa6: {  	s4 =	sshll.u32 s26, $0x1;
	_ =	strace $0x80000049;
	[dreg:$0x1] =	wrdreg $0xFFFFFFFF  }
0xa7: {  	s28 =	simm.s32 $_size_execute0_lowered;
	s2 =	sadd.s32 s2, s4;
	[dreg:$0x0] =	wrdreg $0x0  }
0xa8: {  	s4 =	sshll.u32 s28, $0x1;
	[dreg:$0x2] =	wrdreg s2  }
0xa9: {  	[dreg:$0x3] =	wrdreg s4  }
0xaa: {  	[dreg:$0x4] =	wrdreg $0xC0  }
0xab: {  	_ =	task [dreg:s6], $0x5FFFF  }
0xac: {  	[dreg:$0x1] =	wrdreg $0xFFFFFFFF  }
0xad: {  	[dreg:$0x0] =	wrdreg $0x60  }
0xae: {  	[dreg:$0x2] =	wrdreg s24  }
0xaf: {  	[dreg:$0x3] =	wrdreg $0x9  }
0xb0: {  	_ =	task.clear_ibuf [dreg:s6], $0x4FFFF;
	_ =	strace $0x90000049  }
0xb1: {  	s29 =	simm.s32 $0x9;
	_ =	strace $0x8000004B  }
0xb2: {  	_ =	swait.ge [sflag:s29], $0x1  }
0xb3: {  	[sflag:s29] =	ssyncadd.s32 $0xFFFFFFFF  }
0xb4: {  	_ =	strace $0x9000004B  }
0xb5: {  	_ =	sfence  }
0xb6: {  	s30 =	sld [smem:$0x0];
	_ =	sdelay $0x2  }
0xb7: {  	s31 =	sshll.u32 s1, $0xD;
	s1 =	sshrl.u32 s1, $0x2  }
0xb8: {  	s3 =	sand.u32 $0x4000, s31;
	s1 =	sadd.s32 s1, s30  }
0xb9: {  	s0 =	sor.u32 s3, s0;
	s1 =	sshll.u32 s1, $0x11  }
0xba: {  	s0 =	sor.u32 s1, s0  }
0xbb: {  	s0 =	sadd.s32 $0x8F2B, s0  }
0xbc: {  	[sflag:s0] =	ssyncadd.remote.s32 $0x1  }
0xbd: {  	_ =	sfence.sel $0xFFFF  }
0xbe: {  	[dreg:$0x0] =	wrdreg $0xFFFFFFFF;
	(pc) =	sbr.abs _section_cstart, $3  }
0xbf: {  	[dreg:$0x1] =	wrdreg $0xFFFFFFFF  }
0xc0: {  	_ =	task.clear_ibuf [dreg:s6], $0x2FFFF;
	_ =	strace $0x9FFFFFFF  }
0xc1: {  	(tm) =	ssettm $0x7FFFFFFF  }
tec
execute0_lowered:
.L_overlay_start_1:
0x0: {  	(tag) =	ssettag $0x1  }
0x1: {  	s7 =	rddreg [dreg:$0x0];
	s2 =	srdreg.scid  }
0x2: {  	s0 =	rddreg [dreg:$0x1];
	s1 =	stileid.u32;
	s10 =	simm.s32 $0x4000  }
0x3: {  	s11 =	simm.s32 $0x80;
	s12 =	simm.s32 $0x74D0;
	s13 =	simm.s32 $0x4080  }
0x4: {  	v1 =	vlaneseq.u32;
	s14 =	simm.s32 $0x84D0;
	s15 =	simm.s32 $0x1;
	s16 =	simm.s32 $0x94D0  }
0x5: {  	s17 =	simm.s32 $0x2;
	s18 =	simm.s32 $0x4;
	s19 =	simm.s32 $0xA5D0;
	v0 =	vmul.u32 $0x208, v1  }
0x6: {  	v3 =	vimm.s32 $0x0;
	vm0 =	vcmask $0x300;
	s20 =	simm.s32 $0x3;
	s21 =	simm.s32 $0x0;
	s5 =	sand.u32 $0x1, s2;
	v1 =	vmul.u32 $0x88, v1  }
0x7: {  	s2 =	simm.s32 $0x0;
	s3 =	sshll.u32 s1, $0xA;
	v3 =	vsel vm0, $0x3, v3;
	s4 =	sshll.u32 s5, $0x9;
	v2 =	vadd.s32 $0x1450, v0  }
.Ltmp0:
0x8: {  	[smem:$0x7FF] =	sst s2;
	s6 =	ssub.s32 $0x2, s5;
	v4 =	vadd.s32 $0x880, v1;
	v5 =	vor.u32 $0x1, v1;
	v6 =	vadd.s32 $0x881, v1;
	(pc) =	sbr.rel .LBB2_1-.Ltmp0, $4  }
0x9: {  	s5 =	sadd.s32 $0x3E1200, s7;
	s3 =	sor.u32 s4, s3;
	s4 =	sadd.s32 $0x800, s7;
	v7 =	vor.u32 $0x2, v1;
	v8 =	vadd.s32 $0x882, v1;
	v9 =	vor.u32 $0x3, v1  }
0xa: {  	_ =	strace $0x8000004A;
	s8 =	sshrl.u32 s6, $0x1;
	v10 =	vadd.s32 $0x883, v1;
	v11 =	vor.u32 $0x4, v1;
	v12 =	vadd.s32 $0x884, v1;
	s31 =	sshll.u32 s3, $0x2  }
0xb: {  	s7 =	sadd.s32 $0x3E1210, s7;
	v13 =	vor.u32 $0x5, v1;
	v14 =	vadd.s32 $0x885, v1;
	v15 =	vor.u32 $0x6, v1;
	s8 =	ssub.s32 s6, s8;
	s9 =	sadd.s32 s31, s4  }
0xc: {  	v16 =	vadd.s32 $0x886, v1;
	v17 =	vor.u32 $0x7, v1;
	v18 =	vadd.s32 $0x887, v1;
	s8 =	smax.u32 s8, $0x1;
	s6 =	sadd.s32 $0x3D0900, s9;
	s9 =	simm.s32 $0x5  }
.LBB2_18:
0xd: {  	s21 =	sadd.s32 $0x1, s21  }
0xe: {  	_ =	swait.ge [sflag:s20], $0x1000;
	p0 =	sne.s32 s21, s8  }
.Ltmp1:
0xf: {  	[sflag:s20] =	ssyncset.done $0x0;
	(pc) =	sbr.rel @!p0 .LBB2_19-.Ltmp1, $4  }
0x10: {  	[sflag:s20] =	ssyncadd.s32 $0xFFFFF000  }
0x11: {  	_ =	swait.ge [sflag:s18], $0x1000  }
0x12: {  	[sflag:s18] =	ssyncset.done $0x0  }
0x13: {  	[sflag:s18] =	ssyncadd.s32 $0xFFFFF000  }
.LBB2_1:
0x14: {  	[tilespmem:s2], [sflag:$0x5] =	stream.linear.gather [hbm4b:s6+s2], $0x4000, $0x38;
	[tilespmem:$0xB6D0] =	vst v63  }
0x15: {  	_ =	swait.ge [sflag:s9], $0x4000  }
0x16: {  	[sflag:s9] =	ssyncset.done $0x0  }
0x17: {  	s22 =	simm.s32 $0x40;
	v19 =	vmov s2;
	[sflag:s9] =	ssyncadd.s32 $0xFFFFC000  }
0x18: {  	v19 =	vand.u32 $0x1FC, v19;
	v20 =	vld [tilespmem:s22+$0xFFFFFFC0]  }
0x19: {  	v22 =	vadd.s32 v0, v19;
	v21 =	vld [tilespmem:s22+$0xFFFFFFCA]  }
0x1a: {  	v19 =	vadd.s32 v2, v19;
	_ =	sdelay $0x2  }
0x1b: {  	v20 =	vadd.s32 $0xB5000000, v20  }
0x1c: {  	s23 =	simm.s32 $0x1;
	v21 =	vadd.s32 $0xB5000000, v21;
	[tilespmem:v22+s10+$0x0] =	vst.idx.msk $0xffff, v20  }
0x1d: {  	[tilespmem:v19+s10+$0x0] =	vst.idx.msk $0xffff, v21;
	v19 =	vmov s23  }
0x1e: {  	v20 =	vld [tilespmem:s22+$0xFFFFFFE0];
	v19 =	vand.u32 $0x1FD, v19  }
0x1f: {  	v21 =	vld [tilespmem:s22+$0xFFFFFFEA];
	v22 =	vadd.s32 v0, v19  }
0x20: {  	v19 =	vadd.s32 v2, v19;
	_ =	sdelay $0x2  }
0x21: {  	v20 =	vadd.s32 $0xB5000000, v20  }
0x22: {  	s30 =	simm.s32 $0x2;
	v21 =	vadd.s32 $0xB5000000, v21;
	[tilespmem:v22+s10+$0x0] =	vst.idx.msk $0xffff, v20  }
0x23: {  	[tilespmem:v19+s10+$0x0] =	vst.idx.msk $0xffff, v21;
	v19 =	vmov s30  }
0x24: {  	v20 =	vld [tilespmem:s22+$0x0];
	v19 =	vand.u32 $0x1FE, v19  }
0x25: {  	v21 =	vld [tilespmem:s22+$0xA];
	v22 =	vadd.s32 v0, v19  }
0x26: {  	v19 =	vadd.s32 v2, v19;
	_ =	sdelay $0x2  }
0x27: {  	v20 =	vadd.s32 $0xB5000000, v20  }
0x28: {  	s31 =	simm.s32 $0x3;
	v21 =	vadd.s32 $0xB5000000, v21;
	[tilespmem:v22+s10+$0x0] =	vst.idx.msk $0xffff, v20  }
0x29: {  	[tilespmem:v19+s10+$0x0] =	vst.idx.msk $0xffff, v21;
	v19 =	vmov s31  }
0x2a: {  	v20 =	vld [tilespmem:s22+$0x20];
	v19 =	vand.u32 $0x1FF, v19  }
0x2b: {  	v21 =	vld [tilespmem:s22+$0x2A];
	v22 =	vadd.s32 v0, v19;
	_ =	sdelay $0x1  }
0x2c: {  	v19 =	vadd.s32 v2, v19;
	_ =	sdelay $0x1  }
0x2d: {  	v23 =	vadd.s32 $0xB5000000, v20  }
0x2e: {  	s24 =	simm.s32 $0x8;
	s23 =	simm.s32 $0x4;
	v20 =	vadd.s32 $0xB5000000, v21;
	[tilespmem:v22+s10+$0x0] =	vst.idx.msk $0xffff, v23  }
.LBB2_2:
0x2f: {  	p0 =	sne.s32 s24, $0x1FC  }
0x30: {  	v21 =	vmov s23;
	[tilespmem:v19+s10+$0x0] =	vst.idx.msk $0xffff, v20;
	s22 =	sadd.s32 $0x80, s22;
	s25 =	smov.u32 s24;
	s24 =	sadd.s32 $0x4, s24  }
0x31: {  	v19 =	vld [tilespmem:s22+$0xFFFFFFC0];
	v20 =	vand.u32 $0x1FC, v21  }
0x32: {  	v21 =	vld [tilespmem:s22+$0xFFFFFFCA];
	v22 =	vadd.s32 v0, v20  }
0x33: {  	v20 =	vadd.s32 v2, v20;
	_ =	sdelay $0x2  }
0x34: {  	v19 =	vadd.s32 $0xB5000000, v19  }
0x35: {  	s26 =	sadd.s32 $0x1, s23;
	v21 =	vadd.s32 $0xB5000000, v21;
	[tilespmem:v22+s10+$0x0] =	vst.idx.msk $0xffff, v19  }
0x36: {  	v19 =	vmov s26;
	[tilespmem:v20+s10+$0x0] =	vst.idx.msk $0xffff, v21  }
0x37: {  	v19 =	vand.u32 $0x1FD, v19;
	v20 =	vld [tilespmem:s22+$0xFFFFFFE0]  }
0x38: {  	v22 =	vadd.s32 v0, v19;
	v21 =	vld [tilespmem:s22+$0xFFFFFFEA]  }
0x39: {  	v19 =	vadd.s32 v2, v19;
	_ =	sdelay $0x2  }
0x3a: {  	v20 =	vadd.s32 $0xB5000000, v20  }
0x3b: {  	s26 =	sadd.s32 $0x2, s23;
	v21 =	vadd.s32 $0xB5000000, v21;
	[tilespmem:v22+s10+$0x0] =	vst.idx.msk $0xffff, v20  }
0x3c: {  	[tilespmem:v19+s10+$0x0] =	vst.idx.msk $0xffff, v21;
	v19 =	vmov s26  }
0x3d: {  	v20 =	vld [tilespmem:s22+$0x0];
	v19 =	vand.u32 $0x1FE, v19  }
0x3e: {  	v21 =	vld [tilespmem:s22+$0xA];
	v22 =	vadd.s32 v0, v19  }
0x3f: {  	v19 =	vadd.s32 v2, v19;
	_ =	sdelay $0x2  }
0x40: {  	v20 =	vadd.s32 $0xB5000000, v20  }
0x41: {  	s26 =	sadd.s32 $0x3, s23;
	s23 =	smov.u32 s25;
	v21 =	vadd.s32 $0xB5000000, v21;
	[tilespmem:v22+s10+$0x0] =	vst.idx.msk $0xffff, v20  }
0x42: {  	[tilespmem:v19+s10+$0x0] =	vst.idx.msk $0xffff, v21;
	v19 =	vmov s26  }
0x43: {  	v20 =	vld [tilespmem:s22+$0x20];
	v19 =	vand.u32 $0x1FF, v19  }
0x44: {  	v21 =	vld [tilespmem:s22+$0x2A];
	v22 =	vadd.s32 v0, v19  }
.Ltmp2:
0x45: {  	v19 =	vadd.s32 v2, v19;
	(pc) =	sbr.rel @p0 .LBB2_2-.Ltmp2, $3  }
0x46: {  	_ =	sdelay $0x1  }
0x47: {  	v23 =	vadd.s32 $0xB5000000, v20  }
0x48: {  	v20 =	vadd.s32 $0xB5000000, v21;
	[tilespmem:v22+s10+$0x0] =	vst.idx.msk $0xffff, v23  }
0x49: {  	_ =	sdelay $0x3  }
0x4a: {  	v21 =	vmov s23;
	[tilespmem:v19+s10+$0x0] =	vst.idx.msk $0xffff, v20;
	s22 =	sadd.s32 $0x80, s22  }
0x4b: {  	v19 =	vld [tilespmem:s22+$0xFFFFFFC0];
	v20 =	vand.u32 $0x1FC, v21  }
0x4c: {  	v60 =	vld [tilespmem:s22+$0xFFFFFFCA];
	v22 =	vadd.s32 v0, v20  }
0x4d: {  	v20 =	vadd.s32 v2, v20;
	_ =	sdelay $0x2  }
0x4e: {  	v19 =	vadd.s32 $0xB5000000, v19  }
0x4f: {  	s24 =	sadd.s32 $0x1, s23;
	v21 =	vadd.s32 $0xB5000000, v60;
	[tilespmem:v22+s10+$0x0] =	vst.idx.msk $0xffff, v19  }
0x50: {  	v19 =	vmov s24;
	[tilespmem:v20+s10+$0x0] =	vst.idx.msk $0xffff, v21  }
0x51: {  	v19 =	vand.u32 $0x1FD, v19;
	v20 =	vld [tilespmem:s22+$0xFFFFFFE0]  }
0x52: {  	v21 =	vld [tilespmem:s22+$0xFFFFFFEA];
	v61 =	vadd.s32 v0, v19  }
0x53: {  	v19 =	vadd.s32 v2, v19;
	_ =	sdelay $0x2  }
0x54: {  	v20 =	vadd.s32 $0xB5000000, v20  }
0x55: {  	s30 =	sadd.s32 $0x2, s23;
	v21 =	vadd.s32 $0xB5000000, v21;
	[tilespmem:v61+s10+$0x0] =	vst.idx.msk $0xffff, v20  }
0x56: {  	[tilespmem:v19+s10+$0x0] =	vst.idx.msk $0xffff, v21;
	v19 =	vmov s30  }
0x57: {  	v20 =	vld [tilespmem:s22+$0x0];
	v19 =	vand.u32 $0x1FE, v19  }
0x58: {  	v21 =	vld [tilespmem:s22+$0xA];
	v62 =	vadd.s32 v0, v19  }
0x59: {  	v19 =	vadd.s32 v2, v19;
	_ =	sdelay $0x2  }
0x5a: {  	v20 =	vadd.s32 $0xB5000000, v20  }
0x5b: {  	s31 =	sadd.s32 $0x3, s23;
	v21 =	vadd.s32 $0xB5000000, v21;
	[tilespmem:v62+s10+$0x0] =	vst.idx.msk $0xffff, v20  }
0x5c: {  	[tilespmem:v19+s10+$0x0] =	vst.idx.msk $0xffff, v21;
	v19 =	vmov s31  }
0x5d: {  	v20 =	vld [tilespmem:s22+$0x20];
	v19 =	vand.u32 $0x1FF, v19  }
0x5e: {  	v21 =	vld [tilespmem:s22+$0x2A];
	v63 =	vadd.s32 v0, v19  }
0x5f: {  	v19 =	vadd.s32 v2, v19;
	_ =	sdelay $0x2  }
0x60: {  	v20 =	vadd.s32 $0xB5000000, v20  }
0x61: {  	v21 =	vadd.s32 $0xB5000000, v21;
	[tilespmem:v63+s10+$0x0] =	vst.idx.msk $0xffff, v20  }
0x62: {  	[tilespmem:v19+s10+$0x0] =	vst.idx.msk $0xffff, v21  }
0x63: {  	[tilespmem:s12], [sflag:$0x1] =	stream.indirect.gather [hbm4b:s4+s11], $0x20, s10, s11, $0xb8;
	[tilespmem:$0xB6D0] =	vst v63  }
0x64: {  	s22 =	simm.s32 $0x0  }
0x65: {  	[tilespmem:s14], [sflag:$0x2] =	stream.indirect.gather [hbm4b:s4+s11], $0x20, s13, s11, $0xb8;
	[tilespmem:$0xB6D0] =	vst v63  }
.LBB2_4:
0x66: {  	_ =	swait.ge [sflag:s15], $0x1000;
	s23 =	simm.s32 $0x0  }
0x67: {  	p0 =	seq.s32 s22, $0x0;
	[sflag:s15] =	ssyncset.done $0x0;
	v19 =	vmov s23  }
0x68: {  	s23 =	simm.s32 @!p0 $0x3;
	[sflag:s15] =	ssyncadd.s32 $0xFFFFF000;
	v19 =	vshrl.u32 v19, $0x3  }
0x69: {  	_ =	swait.ge @!p0 [sflag:s23], $0x1000;
	v19 =	vshll.u32 v19, v3  }
0x6a: {  	[sflag:s23] =	ssyncset.done @!p0 $0x0;
	v19 =	vbroadcast v19, $0x0  }
0x6b: {  	s24 =	simm.s32 $0x7550;
	[sflag:s23] =	ssyncadd.s32 @!p0 $0xFFFFF000  }
0x6c: {  	v20 =	vld [tilespmem:s24+$0xFFFFFF80];
	v21 =	vadd.s32 v1, v19  }
0x6d: {  	s30 =	simm.s32 $0x1;
	v22 =	vld [tilespmem:s24+$0xFFFFFF90];
	v19 =	vadd.s32 v4, v19  }
0x6e: {  	v23 =	vmov s30  }
0x6f: {  	v23 =	vshrl.u32 v23, $0x3  }
0x70: {  	v23 =	vshll.u32 v23, v3  }
0x71: {  	[tilespmem:v21+s16+$0x0] =	vst.idx.msk $0xffff, v20;
	v20 =	vbroadcast v23, $0x0  }
0x72: {  	[tilespmem:v19+s16+$0x0] =	vst.idx.msk $0xffff, v22  }
0x73: {  	v19 =	vld [tilespmem:s24+$0xFFFFFFA0];
	v21 =	vadd.s32 v5, v20  }
0x74: {  	s31 =	simm.s32 $0x2;
	v22 =	vld [tilespmem:s24+$0xFFFFFFB0];
	v20 =	vadd.s32 v6, v20  }
0x75: {  	v23 =	vmov s31  }
0x76: {  	v23 =	vshrl.u32 v23, $0x3  }
0x77: {  	v23 =	vshll.u32 v23, v3  }
0x78: {  	[tilespmem:v21+s16+$0x0] =	vst.idx.msk $0xffff, v19;
	v19 =	vbroadcast v23, $0x0  }
0x79: {  	[tilespmem:v20+s16+$0x0] =	vst.idx.msk $0xffff, v22  }
0x7a: {  	v20 =	vld [tilespmem:s24+$0xFFFFFFC0];
	v21 =	vadd.s32 v7, v19  }
0x7b: {  	s25 =	simm.s32 $0x3;
	v22 =	vld [tilespmem:s24+$0xFFFFFFD0];
	v19 =	vadd.s32 v8, v19  }
0x7c: {  	v23 =	vmov s25  }
0x7d: {  	v23 =	vshrl.u32 v23, $0x3  }
0x7e: {  	v23 =	vshll.u32 v23, v3  }
0x7f: {  	[tilespmem:v21+s16+$0x0] =	vst.idx.msk $0xffff, v20;
	v20 =	vbroadcast v23, $0x0  }
0x80: {  	[tilespmem:v19+s16+$0x0] =	vst.idx.msk $0xffff, v22  }
0x81: {  	v19 =	vld [tilespmem:s24+$0xFFFFFFE0];
	v21 =	vadd.s32 v9, v20  }
0x82: {  	s26 =	simm.s32 $0x4;
	v22 =	vld [tilespmem:s24+$0xFFFFFFF0];
	v20 =	vadd.s32 v10, v20  }
0x83: {  	v23 =	vmov s26  }
0x84: {  	v23 =	vshrl.u32 v23, $0x3  }
0x85: {  	v23 =	vshll.u32 v23, v3  }
0x86: {  	[tilespmem:v21+s16+$0x0] =	vst.idx.msk $0xffff, v19;
	v19 =	vbroadcast v23, $0x0  }
0x87: {  	[tilespmem:v20+s16+$0x0] =	vst.idx.msk $0xffff, v22  }
0x88: {  	v20 =	vld [tilespmem:s24+$0x0];
	v21 =	vadd.s32 v11, v19  }
0x89: {  	s28 =	simm.s32 $0x5;
	v22 =	vld [tilespmem:s24+$0x10];
	v19 =	vadd.s32 v12, v19  }
0x8a: {  	v23 =	vmov s28  }
0x8b: {  	v23 =	vshrl.u32 v23, $0x3  }
0x8c: {  	v23 =	vshll.u32 v23, v3  }
0x8d: {  	[tilespmem:v21+s16+$0x0] =	vst.idx.msk $0xffff, v20;
	v20 =	vbroadcast v23, $0x0  }
0x8e: {  	[tilespmem:v19+s16+$0x0] =	vst.idx.msk $0xffff, v22  }
0x8f: {  	v19 =	vld [tilespmem:s24+$0x20];
	v21 =	vadd.s32 v13, v20  }
0x90: {  	s29 =	simm.s32 $0x6;
	v22 =	vld [tilespmem:s24+$0x30];
	v20 =	vadd.s32 v14, v20  }
0x91: {  	v23 =	vmov s29  }
0x92: {  	v23 =	vshrl.u32 v23, $0x3  }
0x93: {  	v23 =	vshll.u32 v23, v3  }
0x94: {  	[tilespmem:v21+s16+$0x0] =	vst.idx.msk $0xffff, v19;
	v19 =	vbroadcast v23, $0x0  }
0x95: {  	[tilespmem:v20+s16+$0x0] =	vst.idx.msk $0xffff, v22  }
0x96: {  	v20 =	vld [tilespmem:s24+$0x40];
	v21 =	vadd.s32 v15, v19  }
0x97: {  	s30 =	simm.s32 $0x7;
	v22 =	vld [tilespmem:s24+$0x50];
	v19 =	vadd.s32 v16, v19  }
0x98: {  	v23 =	vmov s30  }
0x99: {  	v23 =	vshrl.u32 v23, $0x3  }
0x9a: {  	v23 =	vshll.u32 v23, v3  }
0x9b: {  	[tilespmem:v21+s16+$0x0] =	vst.idx.msk $0xffff, v20;
	v20 =	vbroadcast v23, $0x0  }
0x9c: {  	s31 =	simm.s32 $0x8;
	[tilespmem:v19+s16+$0x0] =	vst.idx.msk $0xffff, v22  }
0x9d: {  	v19 =	vmov s31;
	v22 =	vld [tilespmem:s24+$0x60];
	v23 =	vadd.s32 v17, v20  }
0x9e: {  	v21 =	vshrl.u32 v19, $0x3  }
0x9f: {  	v19 =	vld [tilespmem:s24+$0x70];
	v24 =	vshll.u32 v21, v3;
	v21 =	vadd.s32 v18, v20;
	_ =	sdelay $0x2  }
0xa0: {  	s23 =	sshll.u32 s22, $0x1;
	s25 =	simm.s32 $0xF;
	s26 =	simm.s32 $0x17;
	v20 =	vbroadcast v24, $0x0;
	[tilespmem:v23+s16+$0x0] =	vst.idx.msk $0xffff, v22  }
.LBB2_5:
0xa1: {  	p1 =	sne.s32 s26, $0x7F  }
0xa2: {  	[tilespmem:v21+s16+$0x0] =	vst.idx.msk $0xffff, v19;
	s24 =	sadd.s32 $0x100, s24;
	s28 =	smov.u32 s26;
	s26 =	sadd.s32 $0x8, s26  }
0xa3: {  	v19 =	vld [tilespmem:s24+$0xFFFFFF80];
	v21 =	vadd.s32 v1, v20  }
0xa4: {  	s29 =	sadd.s32 $0xFFFFFFFA, s25;
	v20 =	vadd.s32 v4, v20;
	v22 =	vld [tilespmem:s24+$0xFFFFFF90]  }
0xa5: {  	v23 =	vmov s29  }
0xa6: {  	v23 =	vshrl.u32 v23, $0x3  }
0xa7: {  	v23 =	vshll.u32 v23, v3  }
0xa8: {  	[tilespmem:v21+s16+$0x0] =	vst.idx.msk $0xffff, v19;
	v19 =	vbroadcast v23, $0x0  }
0xa9: {  	[tilespmem:v20+s16+$0x0] =	vst.idx.msk $0xffff, v22  }
0xaa: {  	v20 =	vld [tilespmem:s24+$0xFFFFFFA0];
	v21 =	vadd.s32 v5, v19  }
0xab: {  	s29 =	sadd.s32 $0xFFFFFFFB, s25;
	v19 =	vadd.s32 v6, v19;
	v22 =	vld [tilespmem:s24+$0xFFFFFFB0]  }
0xac: {  	v23 =	vmov s29  }
0xad: {  	v23 =	vshrl.u32 v23, $0x3  }
0xae: {  	v23 =	vshll.u32 v23, v3  }
0xaf: {  	[tilespmem:v21+s16+$0x0] =	vst.idx.msk $0xffff, v20;
	v20 =	vbroadcast v23, $0x0  }
0xb0: {  	[tilespmem:v19+s16+$0x0] =	vst.idx.msk $0xffff, v22  }
0xb1: {  	v19 =	vld [tilespmem:s24+$0xFFFFFFC0];
	v21 =	vadd.s32 v7, v20  }
0xb2: {  	s29 =	sadd.s32 $0xFFFFFFFC, s25;
	v20 =	vadd.s32 v8, v20;
	v22 =	vld [tilespmem:s24+$0xFFFFFFD0]  }
0xb3: {  	v23 =	vmov s29  }
0xb4: {  	v23 =	vshrl.u32 v23, $0x3  }
0xb5: {  	v23 =	vshll.u32 v23, v3  }
0xb6: {  	[tilespmem:v21+s16+$0x0] =	vst.idx.msk $0xffff, v19;
	v19 =	vbroadcast v23, $0x0  }
0xb7: {  	[tilespmem:v20+s16+$0x0] =	vst.idx.msk $0xffff, v22  }
0xb8: {  	v20 =	vld [tilespmem:s24+$0xFFFFFFE0];
	v21 =	vadd.s32 v9, v19  }
0xb9: {  	s29 =	sadd.s32 $0xFFFFFFFD, s25;
	v19 =	vadd.s32 v10, v19;
	v22 =	vld [tilespmem:s24+$0xFFFFFFF0]  }
0xba: {  	v23 =	vmov s29  }
0xbb: {  	v23 =	vshrl.u32 v23, $0x3  }
0xbc: {  	v23 =	vshll.u32 v23, v3  }
0xbd: {  	[tilespmem:v21+s16+$0x0] =	vst.idx.msk $0xffff, v20;
	v20 =	vbroadcast v23, $0x0  }
0xbe: {  	[tilespmem:v19+s16+$0x0] =	vst.idx.msk $0xffff, v22  }
0xbf: {  	v19 =	vld [tilespmem:s24+$0x0];
	v21 =	vadd.s32 v11, v20  }
0xc0: {  	s29 =	sadd.s32 $0xFFFFFFFE, s25;
	v20 =	vadd.s32 v12, v20;
	v22 =	vld [tilespmem:s24+$0x10]  }
0xc1: {  	v23 =	vmov s29  }
0xc2: {  	v23 =	vshrl.u32 v23, $0x3  }
0xc3: {  	v23 =	vshll.u32 v23, v3  }
0xc4: {  	[tilespmem:v21+s16+$0x0] =	vst.idx.msk $0xffff, v19;
	v19 =	vbroadcast v23, $0x0  }
0xc5: {  	[tilespmem:v20+s16+$0x0] =	vst.idx.msk $0xffff, v22  }
0xc6: {  	v20 =	vld [tilespmem:s24+$0x20];
	v21 =	vadd.s32 v13, v19  }
0xc7: {  	s29 =	sadd.s32 $0xFFFFFFFF, s25;
	v19 =	vadd.s32 v14, v19;
	v22 =	vld [tilespmem:s24+$0x30]  }
0xc8: {  	v23 =	vmov s29  }
0xc9: {  	v23 =	vshrl.u32 v23, $0x3  }
0xca: {  	v23 =	vshll.u32 v23, v3  }
0xcb: {  	[tilespmem:v21+s16+$0x0] =	vst.idx.msk $0xffff, v20;
	v20 =	vbroadcast v23, $0x0  }
0xcc: {  	[tilespmem:v19+s16+$0x0] =	vst.idx.msk $0xffff, v22  }
0xcd: {  	v19 =	vld [tilespmem:s24+$0x40];
	v21 =	vadd.s32 v15, v20  }
0xce: {  	v20 =	vadd.s32 v16, v20;
	v22 =	vld [tilespmem:s24+$0x50]  }
0xcf: {  	v23 =	vmov s25;
	s25 =	smov.u32 s28  }
0xd0: {  	v23 =	vshrl.u32 v23, $0x3  }
0xd1: {  	v23 =	vshll.u32 v23, v3  }
0xd2: {  	[tilespmem:v21+s16+$0x0] =	vst.idx.msk $0xffff, v19;
	v21 =	vbroadcast v23, $0x0  }
0xd3: {  	[tilespmem:v20+s16+$0x0] =	vst.idx.msk $0xffff, v22  }
0xd4: {  	v22 =	vld [tilespmem:s24+$0x60];
	v23 =	vadd.s32 v17, v21  }
.Ltmp3:
0xd5: {  	s28 =	sadd.s32 $0xFFFFFFF9, s25;
	v21 =	vadd.s32 v18, v21;
	v19 =	vld [tilespmem:s24+$0x70];
	(pc) =	sbr.rel @p1 .LBB2_5-.Ltmp3, $4  }
0xd6: {  	v20 =	vmov s28  }
0xd7: {  	v20 =	vshrl.u32 v20, $0x3  }
0xd8: {  	v20 =	vshll.u32 v20, v3  }
0xd9: {  	v20 =	vbroadcast v20, $0x0;
	[tilespmem:v23+s16+$0x0] =	vst.idx.msk $0xffff, v22  }
0xda: {  	_ =	sdelay $0x3  }
0xdb: {  	[tilespmem:v21+s16+$0x0] =	vst.idx.msk $0xffff, v19;
	s24 =	sadd.s32 $0x100, s24  }
0xdc: {  	v19 =	vld [tilespmem:s24+$0xFFFFFF80];
	v50 =	vadd.s32 v1, v20  }
0xdd: {  	s26 =	sadd.s32 $0xFFFFFFFA, s25;
	v22 =	vld [tilespmem:s24+$0xFFFFFF90];
	v20 =	vadd.s32 v4, v20  }
0xde: {  	v23 =	vmov s26  }
0xdf: {  	v23 =	vshrl.u32 v23, $0x3  }
0xe0: {  	v23 =	vshll.u32 v23, v3  }
0xe1: {  	[tilespmem:v50+s16+$0x0] =	vst.idx.msk $0xffff, v19;
	v19 =	vbroadcast v23, $0x0  }
0xe2: {  	[tilespmem:v20+s16+$0x0] =	vst.idx.msk $0xffff, v22  }
0xe3: {  	v20 =	vld [tilespmem:s24+$0xFFFFFFA0];
	v51 =	vadd.s32 v5, v19  }
0xe4: {  	s28 =	sadd.s32 $0xFFFFFFFB, s25;
	v22 =	vld [tilespmem:s24+$0xFFFFFFB0];
	v19 =	vadd.s32 v6, v19  }
0xe5: {  	v52 =	vmov s28  }
0xe6: {  	v23 =	vshrl.u32 v52, $0x3  }
0xe7: {  	v23 =	vshll.u32 v23, v3  }
0xe8: {  	[tilespmem:v51+s16+$0x0] =	vst.idx.msk $0xffff, v20;
	v20 =	vbroadcast v23, $0x0  }
0xe9: {  	[tilespmem:v19+s16+$0x0] =	vst.idx.msk $0xffff, v22  }
0xea: {  	v19 =	vld [tilespmem:s24+$0xFFFFFFC0];
	v53 =	vadd.s32 v7, v20  }
0xeb: {  	s29 =	sadd.s32 $0xFFFFFFFC, s25;
	v22 =	vld [tilespmem:s24+$0xFFFFFFD0];
	v20 =	vadd.s32 v8, v20  }
0xec: {  	v54 =	vmov s29  }
0xed: {  	v23 =	vshrl.u32 v54, $0x3  }
0xee: {  	v23 =	vshll.u32 v23, v3  }
0xef: {  	[tilespmem:v53+s16+$0x0] =	vst.idx.msk $0xffff, v19;
	v19 =	vbroadcast v23, $0x0  }
0xf0: {  	[tilespmem:v20+s16+$0x0] =	vst.idx.msk $0xffff, v22  }
0xf1: {  	v20 =	vld [tilespmem:s24+$0xFFFFFFE0];
	v55 =	vadd.s32 v9, v19  }
0xf2: {  	s30 =	sadd.s32 $0xFFFFFFFD, s25;
	v22 =	vld [tilespmem:s24+$0xFFFFFFF0];
	v19 =	vadd.s32 v10, v19  }
0xf3: {  	v56 =	vmov s30  }
0xf4: {  	v23 =	vshrl.u32 v56, $0x3  }
0xf5: {  	v23 =	vshll.u32 v23, v3  }
0xf6: {  	[tilespmem:v55+s16+$0x0] =	vst.idx.msk $0xffff, v20;
	v20 =	vbroadcast v23, $0x0  }
0xf7: {  	[tilespmem:v19+s16+$0x0] =	vst.idx.msk $0xffff, v22  }
0xf8: {  	v19 =	vld [tilespmem:s24+$0x0];
	v57 =	vadd.s32 v11, v20  }
0xf9: {  	s31 =	sadd.s32 $0xFFFFFFFE, s25;
	v22 =	vld [tilespmem:s24+$0x10];
	v20 =	vadd.s32 v12, v20  }
0xfa: {  	v58 =	vmov s31  }
0xfb: {  	v23 =	vshrl.u32 v58, $0x3  }
0xfc: {  	v23 =	vshll.u32 v23, v3  }
0xfd: {  	[tilespmem:v57+s16+$0x0] =	vst.idx.msk $0xffff, v19;
	v19 =	vbroadcast v23, $0x0  }
0xfe: {  	[tilespmem:v20+s16+$0x0] =	vst.idx.msk $0xffff, v22  }
0xff: {  	v20 =	vld [tilespmem:s24+$0x20];
	v59 =	vadd.s32 v13, v19  }
0x100: {  	s28 =	sadd.s32 $0xFFFFFFFF, s25;
	v22 =	vld [tilespmem:s24+$0x30];
	v19 =	vadd.s32 v14, v19  }
0x101: {  	v60 =	vmov s28  }
0x102: {  	v23 =	vshrl.u32 v60, $0x3  }
0x103: {  	v23 =	vshll.u32 v23, v3  }
0x104: {  	[tilespmem:v59+s16+$0x0] =	vst.idx.msk $0xffff, v20;
	v20 =	vbroadcast v23, $0x0  }
0x105: {  	[tilespmem:v19+s16+$0x0] =	vst.idx.msk $0xffff, v22  }
0x106: {  	v19 =	vld [tilespmem:s24+$0x40];
	v61 =	vadd.s32 v15, v20  }
0x107: {  	v22 =	vld [tilespmem:s24+$0x50];
	v20 =	vadd.s32 v16, v20  }
0x108: {  	v62 =	vmov s25  }
0x109: {  	v23 =	vshrl.u32 v62, $0x3  }
0x10a: {  	v23 =	vshll.u32 v23, v3  }
0x10b: {  	[tilespmem:v61+s16+$0x0] =	vst.idx.msk $0xffff, v19;
	v19 =	vbroadcast v23, $0x0  }
0x10c: {  	[tilespmem:v20+s16+$0x0] =	vst.idx.msk $0xffff, v22  }
0x10d: {  	v20 =	vld [tilespmem:s24+$0x60];
	v63 =	vadd.s32 v17, v19  }
0x10e: {  	s29 =	sshll.u32 s22, $0x12;
	s30 =	sshll.u32 s22, $0x8;
	v22 =	vld [tilespmem:s24+$0x70];
	v19 =	vadd.s32 v18, v19  }
0x10f: {  	s25 =	sand.u32 $0x100, s30;
	s24 =	sand.u32 $0xF80000, s29  }
0x110: {  	s24 =	sor.u32 s25, s24  }
0x111: {  	s24 =	sor.u32 s3, s24  }
0x112: {  	s24 =	sshrl.u32 s24, $0x3;
	[tilespmem:v63+s16+$0x0] =	vst.idx.msk $0xffff, v20  }
0x113: {  	s31 =	simm.s32 $0x94D0;
	s26 =	simm.s32 $0x220;
	s25 =	sadd.s32 s5, s24;
	[tilespmem:v19+s16+$0x0] =	vst.idx.msk $0xffff, v22  }
0x114: {  	[hbm4b:s25+s2] =	stream.linear.scatter [tilespmem:s31], [sflag:$0x3], $0x80, $0x38;
	[tilespmem:$0xB6D0] =	vst v63  }
.LBB2_7:
0x115: {  	p1 =	sne.s32 s26, $0x41E0  }
.Ltmp4:
0x116: {  	_ = 	snop;
	(pc) =	sbr.rel @p1 .LBB2_7-.Ltmp4, $4  }
0x117: {  	_ = 	snop  }
0x118: {  	s28 =	sshra.s32 s26, $0x2;
	s26 =	sadd.s32 $0x220, s26  }
0x119: {  	s25 =	sadd.s32 $0x800, s25;
	s28 =	sadd.s32 $0x94D0, s28  }
0x11a: {  	[hbm4b:s25+s2] =	stream.linear.scatter [tilespmem:s28], [sflag:$0x3], $0x80, $0x38;
	[tilespmem:$0xB6D0] =	vst v63  }
0x11b: {  	p1 =	sne.s32 s22, $0x33  }
.Ltmp5:
0x11c: {  	_ = 	snop;
	(pc) =	sbr.rel @p1 .LBB2_10-.Ltmp5, $1  }
0x11d: {  	_ =	sdelay $0x3  }
.Ltmp6:
0x11e: {  	(pc) =	sbr.rel .LBB2_11-.Ltmp6, $4  }
0x11f: {  	_ = 	snop  }
0x120: {  	_ =	swait.ge [sflag:s17], $0x1000  }
0x121: {  	[sflag:s17] =	ssyncset.done $0x0  }
0x122: {  	[sflag:s17] =	ssyncadd.s32 $0xFFFFF000  }
.LBB2_10:
0x123: {  	s25 =	sadd.s32 $0x2, s23  }
0x124: {  	s26 =	sshrl.u32 s25, $0x2  }
0x125: {  	s26 =	smul.u32 $0x820, s26  }
0x126: {  	s25 =	sshll.u32 s25, $0x7  }
0x127: {  	s25 =	sand.u32 $0x100, s25;
	s26 =	sshra.s32 s26, $0x2  }
0x128: {  	s25 =	sadd.s32 s25, s26  }
.Ltmp7:
0x129: {  	s25 =	sadd.s32 $0x4000, s25;
	(pc) =	sbr.rel @p0 .LBB2_12-.Ltmp7, $4  }
0x12a: {  	[tilespmem:s12], [sflag:$0x1] =	stream.indirect.gather [hbm4b:s4+s11], $0x20, s25, s11, $0xb8;
	[tilespmem:$0xB6D0] =	vst v63  }
0x12b: {  	_ =	swait.ge [sflag:s17], $0x1000  }
0x12c: {  	[sflag:s17] =	ssyncset.done $0x0  }
0x12d: {  	[sflag:s17] =	ssyncadd.s32 $0xFFFFF000  }
.LBB2_11:
0x12e: {  	_ =	swait.ge [sflag:s18], $0x1000  }
0x12f: {  	[sflag:s18] =	ssyncset.done $0x0  }
0x130: {  	[sflag:s18] =	ssyncadd.s32 $0xFFFFF000  }
.LBB2_12:
0x131: {  	s25 =	simm.s32 $0x0  }
0x132: {  	v19 =	vmov s25  }
0x133: {  	v19 =	vshrl.u32 v19, $0x3  }
0x134: {  	v19 =	vshll.u32 v19, v3  }
0x135: {  	v19 =	vbroadcast v19, $0x0  }
0x136: {  	s25 =	simm.s32 $0x8550  }
0x137: {  	v20 =	vld [tilespmem:s25+$0xFFFFFF80];
	v21 =	vadd.s32 v1, v19  }
0x138: {  	s26 =	simm.s32 $0x1;
	v22 =	vld [tilespmem:s25+$0xFFFFFF90];
	v19 =	vadd.s32 v4, v19  }
0x139: {  	v23 =	vmov s26  }
0x13a: {  	v23 =	vshrl.u32 v23, $0x3  }
0x13b: {  	v23 =	vshll.u32 v23, v3  }
0x13c: {  	[tilespmem:v21+s19+$0x0] =	vst.idx.msk $0xffff, v20;
	v20 =	vbroadcast v23, $0x0  }
0x13d: {  	[tilespmem:v19+s19+$0x0] =	vst.idx.msk $0xffff, v22  }
0x13e: {  	v19 =	vld [tilespmem:s25+$0xFFFFFFA0];
	v21 =	vadd.s32 v5, v20  }
0x13f: {  	s31 =	simm.s32 $0x2;
	v22 =	vld [tilespmem:s25+$0xFFFFFFB0];
	v20 =	vadd.s32 v6, v20  }
0x140: {  	v23 =	vmov s31  }
0x141: {  	v23 =	vshrl.u32 v23, $0x3  }
0x142: {  	v23 =	vshll.u32 v23, v3  }
0x143: {  	[tilespmem:v21+s19+$0x0] =	vst.idx.msk $0xffff, v19;
	v19 =	vbroadcast v23, $0x0  }
0x144: {  	[tilespmem:v20+s19+$0x0] =	vst.idx.msk $0xffff, v22  }
0x145: {  	v20 =	vld [tilespmem:s25+$0xFFFFFFC0];
	v21 =	vadd.s32 v7, v19  }
0x146: {  	s29 =	simm.s32 $0x3;
	v22 =	vld [tilespmem:s25+$0xFFFFFFD0];
	v19 =	vadd.s32 v8, v19  }
0x147: {  	v23 =	vmov s29  }
0x148: {  	v23 =	vshrl.u32 v23, $0x3  }
0x149: {  	v23 =	vshll.u32 v23, v3  }
0x14a: {  	[tilespmem:v21+s19+$0x0] =	vst.idx.msk $0xffff, v20;
	v20 =	vbroadcast v23, $0x0  }
0x14b: {  	[tilespmem:v19+s19+$0x0] =	vst.idx.msk $0xffff, v22  }
0x14c: {  	v19 =	vld [tilespmem:s25+$0xFFFFFFE0];
	v21 =	vadd.s32 v9, v20  }
0x14d: {  	s30 =	simm.s32 $0x4;
	v22 =	vld [tilespmem:s25+$0xFFFFFFF0];
	v20 =	vadd.s32 v10, v20  }
0x14e: {  	v23 =	vmov s30  }
0x14f: {  	v23 =	vshrl.u32 v23, $0x3  }
0x150: {  	v23 =	vshll.u32 v23, v3  }
0x151: {  	[tilespmem:v21+s19+$0x0] =	vst.idx.msk $0xffff, v19;
	v19 =	vbroadcast v23, $0x0  }
0x152: {  	[tilespmem:v20+s19+$0x0] =	vst.idx.msk $0xffff, v22  }
0x153: {  	v20 =	vld [tilespmem:s25+$0x0];
	v21 =	vadd.s32 v11, v19  }
0x154: {  	s31 =	simm.s32 $0x5;
	v22 =	vld [tilespmem:s25+$0x10];
	v19 =	vadd.s32 v12, v19  }
0x155: {  	v23 =	vmov s31  }
0x156: {  	v23 =	vshrl.u32 v23, $0x3  }
0x157: {  	v23 =	vshll.u32 v23, v3  }
0x158: {  	[tilespmem:v21+s19+$0x0] =	vst.idx.msk $0xffff, v20;
	v20 =	vbroadcast v23, $0x0  }
0x159: {  	[tilespmem:v19+s19+$0x0] =	vst.idx.msk $0xffff, v22  }
0x15a: {  	v19 =	vld [tilespmem:s25+$0x20];
	v21 =	vadd.s32 v13, v20  }
0x15b: {  	s29 =	simm.s32 $0x6;
	v22 =	vld [tilespmem:s25+$0x30];
	v20 =	vadd.s32 v14, v20  }
0x15c: {  	v23 =	vmov s29  }
0x15d: {  	v23 =	vshrl.u32 v23, $0x3  }
0x15e: {  	v23 =	vshll.u32 v23, v3  }
0x15f: {  	[tilespmem:v21+s19+$0x0] =	vst.idx.msk $0xffff, v19;
	v19 =	vbroadcast v23, $0x0  }
0x160: {  	[tilespmem:v20+s19+$0x0] =	vst.idx.msk $0xffff, v22  }
0x161: {  	v20 =	vld [tilespmem:s25+$0x40];
	v21 =	vadd.s32 v15, v19  }
0x162: {  	s30 =	simm.s32 $0x7;
	v22 =	vld [tilespmem:s25+$0x50];
	v19 =	vadd.s32 v16, v19  }
0x163: {  	v23 =	vmov s30  }
0x164: {  	v23 =	vshrl.u32 v23, $0x3  }
0x165: {  	v23 =	vshll.u32 v23, v3  }
0x166: {  	[tilespmem:v21+s19+$0x0] =	vst.idx.msk $0xffff, v20;
	v20 =	vbroadcast v23, $0x0  }
0x167: {  	s31 =	simm.s32 $0x8;
	[tilespmem:v19+s19+$0x0] =	vst.idx.msk $0xffff, v22  }
0x168: {  	v19 =	vmov s31;
	v22 =	vld [tilespmem:s25+$0x60];
	v23 =	vadd.s32 v17, v20  }
0x169: {  	v21 =	vshrl.u32 v19, $0x3  }
0x16a: {  	v19 =	vld [tilespmem:s25+$0x70];
	v24 =	vshll.u32 v21, v3;
	v21 =	vadd.s32 v18, v20;
	_ =	sdelay $0x2  }
0x16b: {  	s28 =	simm.s32 $0x17;
	s26 =	simm.s32 $0xF;
	v20 =	vbroadcast v24, $0x0;
	[tilespmem:v23+s19+$0x0] =	vst.idx.msk $0xffff, v22  }
.LBB2_13:
0x16c: {  	p0 =	sne.s32 s28, $0x7F  }
0x16d: {  	[tilespmem:v21+s19+$0x0] =	vst.idx.msk $0xffff, v19;
	s25 =	sadd.s32 $0x100, s25;
	s29 =	smov.u32 s28;
	s28 =	sadd.s32 $0x8, s28  }
0x16e: {  	v19 =	vld [tilespmem:s25+$0xFFFFFF80];
	v21 =	vadd.s32 v1, v20  }
0x16f: {  	s30 =	sadd.s32 $0xFFFFFFFA, s26;
	v20 =	vadd.s32 v4, v20;
	v22 =	vld [tilespmem:s25+$0xFFFFFF90]  }
0x170: {  	v23 =	vmov s30  }
0x171: {  	v23 =	vshrl.u32 v23, $0x3  }
0x172: {  	v23 =	vshll.u32 v23, v3  }
0x173: {  	[tilespmem:v21+s19+$0x0] =	vst.idx.msk $0xffff, v19;
	v19 =	vbroadcast v23, $0x0  }
0x174: {  	[tilespmem:v20+s19+$0x0] =	vst.idx.msk $0xffff, v22  }
0x175: {  	v20 =	vld [tilespmem:s25+$0xFFFFFFA0];
	v21 =	vadd.s32 v5, v19  }
0x176: {  	s30 =	sadd.s32 $0xFFFFFFFB, s26;
	v19 =	vadd.s32 v6, v19;
	v22 =	vld [tilespmem:s25+$0xFFFFFFB0]  }
0x177: {  	v23 =	vmov s30  }
0x178: {  	v23 =	vshrl.u32 v23, $0x3  }
0x179: {  	v23 =	vshll.u32 v23, v3  }
0x17a: {  	[tilespmem:v21+s19+$0x0] =	vst.idx.msk $0xffff, v20;
	v20 =	vbroadcast v23, $0x0  }
0x17b: {  	[tilespmem:v19+s19+$0x0] =	vst.idx.msk $0xffff, v22  }
0x17c: {  	v19 =	vld [tilespmem:s25+$0xFFFFFFC0];
	v21 =	vadd.s32 v7, v20  }
0x17d: {  	s30 =	sadd.s32 $0xFFFFFFFC, s26;
	v20 =	vadd.s32 v8, v20;
	v22 =	vld [tilespmem:s25+$0xFFFFFFD0]  }
0x17e: {  	v23 =	vmov s30  }
0x17f: {  	v23 =	vshrl.u32 v23, $0x3  }
0x180: {  	v23 =	vshll.u32 v23, v3  }
0x181: {  	[tilespmem:v21+s19+$0x0] =	vst.idx.msk $0xffff, v19;
	v19 =	vbroadcast v23, $0x0  }
0x182: {  	[tilespmem:v20+s19+$0x0] =	vst.idx.msk $0xffff, v22  }
0x183: {  	v20 =	vld [tilespmem:s25+$0xFFFFFFE0];
	v21 =	vadd.s32 v9, v19  }
0x184: {  	s30 =	sadd.s32 $0xFFFFFFFD, s26;
	v19 =	vadd.s32 v10, v19;
	v22 =	vld [tilespmem:s25+$0xFFFFFFF0]  }
0x185: {  	v23 =	vmov s30  }
0x186: {  	v23 =	vshrl.u32 v23, $0x3  }
0x187: {  	v23 =	vshll.u32 v23, v3  }
0x188: {  	[tilespmem:v21+s19+$0x0] =	vst.idx.msk $0xffff, v20;
	v20 =	vbroadcast v23, $0x0  }
0x189: {  	[tilespmem:v19+s19+$0x0] =	vst.idx.msk $0xffff, v22  }
0x18a: {  	v19 =	vld [tilespmem:s25+$0x0];
	v21 =	vadd.s32 v11, v20  }
0x18b: {  	s30 =	sadd.s32 $0xFFFFFFFE, s26;
	v20 =	vadd.s32 v12, v20;
	v22 =	vld [tilespmem:s25+$0x10]  }
0x18c: {  	v23 =	vmov s30  }
0x18d: {  	v23 =	vshrl.u32 v23, $0x3  }
0x18e: {  	v23 =	vshll.u32 v23, v3  }
0x18f: {  	[tilespmem:v21+s19+$0x0] =	vst.idx.msk $0xffff, v19;
	v19 =	vbroadcast v23, $0x0  }
0x190: {  	[tilespmem:v20+s19+$0x0] =	vst.idx.msk $0xffff, v22  }
0x191: {  	v20 =	vld [tilespmem:s25+$0x20];
	v21 =	vadd.s32 v13, v19  }
0x192: {  	s30 =	sadd.s32 $0xFFFFFFFF, s26;
	v19 =	vadd.s32 v14, v19;
	v22 =	vld [tilespmem:s25+$0x30]  }
0x193: {  	v23 =	vmov s30  }
0x194: {  	v23 =	vshrl.u32 v23, $0x3  }
0x195: {  	v23 =	vshll.u32 v23, v3  }
0x196: {  	[tilespmem:v21+s19+$0x0] =	vst.idx.msk $0xffff, v20;
	v20 =	vbroadcast v23, $0x0  }
0x197: {  	[tilespmem:v19+s19+$0x0] =	vst.idx.msk $0xffff, v22  }
0x198: {  	v19 =	vld [tilespmem:s25+$0x40];
	v21 =	vadd.s32 v15, v20  }
0x199: {  	v20 =	vadd.s32 v16, v20;
	v22 =	vld [tilespmem:s25+$0x50]  }
0x19a: {  	v23 =	vmov s26;
	s26 =	smov.u32 s29  }
0x19b: {  	v23 =	vshrl.u32 v23, $0x3  }
0x19c: {  	v23 =	vshll.u32 v23, v3  }
0x19d: {  	[tilespmem:v21+s19+$0x0] =	vst.idx.msk $0xffff, v19;
	v21 =	vbroadcast v23, $0x0  }
0x19e: {  	[tilespmem:v20+s19+$0x0] =	vst.idx.msk $0xffff, v22  }
0x19f: {  	v22 =	vld [tilespmem:s25+$0x60];
	v23 =	vadd.s32 v17, v21  }
.Ltmp8:
0x1a0: {  	s29 =	sadd.s32 $0xFFFFFFF9, s26;
	v21 =	vadd.s32 v18, v21;
	v19 =	vld [tilespmem:s25+$0x70];
	(pc) =	sbr.rel @p0 .LBB2_13-.Ltmp8, $4  }
0x1a1: {  	v20 =	vmov s29  }
0x1a2: {  	v20 =	vshrl.u32 v20, $0x3  }
0x1a3: {  	v20 =	vshll.u32 v20, v3  }
0x1a4: {  	v20 =	vbroadcast v20, $0x0;
	[tilespmem:v23+s19+$0x0] =	vst.idx.msk $0xffff, v22  }
0x1a5: {  	_ =	sdelay $0x3  }
0x1a6: {  	[tilespmem:v21+s19+$0x0] =	vst.idx.msk $0xffff, v19;
	s25 =	sadd.s32 $0x100, s25  }
0x1a7: {  	v19 =	vld [tilespmem:s25+$0xFFFFFF80];
	v50 =	vadd.s32 v1, v20  }
0x1a8: {  	s28 =	sadd.s32 $0xFFFFFFFA, s26;
	v22 =	vld [tilespmem:s25+$0xFFFFFF90];
	v20 =	vadd.s32 v4, v20  }
0x1a9: {  	v23 =	vmov s28  }
0x1aa: {  	v23 =	vshrl.u32 v23, $0x3  }
0x1ab: {  	v23 =	vshll.u32 v23, v3  }
0x1ac: {  	[tilespmem:v50+s19+$0x0] =	vst.idx.msk $0xffff, v19;
	v19 =	vbroadcast v23, $0x0  }
0x1ad: {  	[tilespmem:v20+s19+$0x0] =	vst.idx.msk $0xffff, v22  }
0x1ae: {  	v20 =	vld [tilespmem:s25+$0xFFFFFFA0];
	v51 =	vadd.s32 v5, v19  }
0x1af: {  	s29 =	sadd.s32 $0xFFFFFFFB, s26;
	v22 =	vld [tilespmem:s25+$0xFFFFFFB0];
	v19 =	vadd.s32 v6, v19  }
0x1b0: {  	v52 =	vmov s29  }
0x1b1: {  	v23 =	vshrl.u32 v52, $0x3  }
0x1b2: {  	v23 =	vshll.u32 v23, v3  }
0x1b3: {  	[tilespmem:v51+s19+$0x0] =	vst.idx.msk $0xffff, v20;
	v20 =	vbroadcast v23, $0x0  }
0x1b4: {  	[tilespmem:v19+s19+$0x0] =	vst.idx.msk $0xffff, v22  }
0x1b5: {  	v19 =	vld [tilespmem:s25+$0xFFFFFFC0];
	v53 =	vadd.s32 v7, v20  }
0x1b6: {  	s30 =	sadd.s32 $0xFFFFFFFC, s26;
	v22 =	vld [tilespmem:s25+$0xFFFFFFD0];
	v20 =	vadd.s32 v8, v20  }
0x1b7: {  	v54 =	vmov s30  }
0x1b8: {  	v23 =	vshrl.u32 v54, $0x3  }
0x1b9: {  	v23 =	vshll.u32 v23, v3  }
0x1ba: {  	[tilespmem:v53+s19+$0x0] =	vst.idx.msk $0xffff, v19;
	v19 =	vbroadcast v23, $0x0  }
0x1bb: {  	[tilespmem:v20+s19+$0x0] =	vst.idx.msk $0xffff, v22  }
0x1bc: {  	v20 =	vld [tilespmem:s25+$0xFFFFFFE0];
	v55 =	vadd.s32 v9, v19  }
0x1bd: {  	s31 =	sadd.s32 $0xFFFFFFFD, s26;
	v22 =	vld [tilespmem:s25+$0xFFFFFFF0];
	v19 =	vadd.s32 v10, v19  }
0x1be: {  	v56 =	vmov s31  }
0x1bf: {  	v23 =	vshrl.u32 v56, $0x3  }
0x1c0: {  	v23 =	vshll.u32 v23, v3  }
0x1c1: {  	[tilespmem:v55+s19+$0x0] =	vst.idx.msk $0xffff, v20;
	v20 =	vbroadcast v23, $0x0  }
0x1c2: {  	[tilespmem:v19+s19+$0x0] =	vst.idx.msk $0xffff, v22  }
0x1c3: {  	v19 =	vld [tilespmem:s25+$0x0];
	v57 =	vadd.s32 v11, v20  }
0x1c4: {  	s29 =	sadd.s32 $0xFFFFFFFE, s26;
	v22 =	vld [tilespmem:s25+$0x10];
	v20 =	vadd.s32 v12, v20  }
0x1c5: {  	v58 =	vmov s29  }
0x1c6: {  	v23 =	vshrl.u32 v58, $0x3  }
0x1c7: {  	v23 =	vshll.u32 v23, v3  }
0x1c8: {  	[tilespmem:v57+s19+$0x0] =	vst.idx.msk $0xffff, v19;
	v19 =	vbroadcast v23, $0x0  }
0x1c9: {  	[tilespmem:v20+s19+$0x0] =	vst.idx.msk $0xffff, v22  }
0x1ca: {  	v20 =	vld [tilespmem:s25+$0x20];
	v59 =	vadd.s32 v13, v19  }
0x1cb: {  	s30 =	sadd.s32 $0xFFFFFFFF, s26;
	v22 =	vld [tilespmem:s25+$0x30];
	v19 =	vadd.s32 v14, v19  }
0x1cc: {  	v60 =	vmov s30  }
0x1cd: {  	v23 =	vshrl.u32 v60, $0x3  }
0x1ce: {  	v23 =	vshll.u32 v23, v3  }
0x1cf: {  	[tilespmem:v59+s19+$0x0] =	vst.idx.msk $0xffff, v20;
	v20 =	vbroadcast v23, $0x0  }
0x1d0: {  	[tilespmem:v19+s19+$0x0] =	vst.idx.msk $0xffff, v22  }
0x1d1: {  	v19 =	vld [tilespmem:s25+$0x40];
	v61 =	vadd.s32 v15, v20  }
0x1d2: {  	v22 =	vld [tilespmem:s25+$0x50];
	v20 =	vadd.s32 v16, v20  }
0x1d3: {  	v62 =	vmov s26  }
0x1d4: {  	v23 =	vshrl.u32 v62, $0x3  }
0x1d5: {  	v23 =	vshll.u32 v23, v3  }
0x1d6: {  	[tilespmem:v61+s19+$0x0] =	vst.idx.msk $0xffff, v19;
	v19 =	vbroadcast v23, $0x0  }
0x1d7: {  	[tilespmem:v20+s19+$0x0] =	vst.idx.msk $0xffff, v22  }
0x1d8: {  	v20 =	vld [tilespmem:s25+$0x60];
	v63 =	vadd.s32 v17, v19  }
0x1d9: {  	v22 =	vld [tilespmem:s25+$0x70];
	v19 =	vadd.s32 v18, v19;
	_ =	sdelay $0x3  }
0x1da: {  	[tilespmem:v63+s19+$0x0] =	vst.idx.msk $0xffff, v20  }
0x1db: {  	s24 =	sadd.s32 s24, s7;
	s31 =	simm.s32 $0xA5D0;
	s25 =	simm.s32 $0x220;
	[tilespmem:v19+s19+$0x0] =	vst.idx.msk $0xffff, v22  }
0x1dc: {  	[hbm4b:s24+s2] =	stream.linear.scatter [tilespmem:s31], [sflag:$0x4], $0x80, $0x38;
	[tilespmem:$0xB6D0] =	vst v63  }
.LBB2_15:
0x1dd: {  	p0 =	sne.s32 s25, $0x41E0  }
.Ltmp9:
0x1de: {  	_ = 	snop;
	(pc) =	sbr.rel @p0 .LBB2_15-.Ltmp9, $4  }
0x1df: {  	_ = 	snop  }
0x1e0: {  	s26 =	sshra.s32 s25, $0x2;
	s25 =	sadd.s32 $0x220, s25  }
0x1e1: {  	s24 =	sadd.s32 $0x800, s24;
	s26 =	sadd.s32 $0xA5D0, s26  }
0x1e2: {  	[hbm4b:s24+s2] =	stream.linear.scatter [tilespmem:s26], [sflag:$0x4], $0x80, $0x38;
	[tilespmem:$0xB6D0] =	vst v63  }
0x1e3: {  	p0 =	seq.s32 s22, $0x33  }
.Ltmp10:
0x1e4: {  	_ = 	snop;
	(pc) =	sbr.rel @p0 .LBB2_18-.Ltmp10, $1  }
0x1e5: {  	_ =	sdelay $0x3  }
0x1e6: {  	s23 =	sadd.s32 $0x3, s23  }
0x1e7: {  	s24 =	sshrl.u32 s23, $0x2  }
0x1e8: {  	s24 =	smul.u32 $0x820, s24  }
.Ltmp11:
0x1e9: {  	s23 =	sshll.u32 s23, $0x7;
	(pc) =	sbr.rel .LBB2_4-.Ltmp11, $4  }
0x1ea: {  	s23 =	sand.u32 $0x180, s23;
	s24 =	sshra.s32 s24, $0x2  }
0x1eb: {  	s23 =	sadd.s32 s23, s24  }
0x1ec: {  	s22 =	sadd.s32 $0x1, s22;
	s23 =	sadd.s32 $0x4000, s23  }
0x1ed: {  	[tilespmem:s14], [sflag:$0x2] =	stream.indirect.gather [hbm4b:s4+s11], $0x20, s23, s11, $0xb8;
	[tilespmem:$0xB6D0] =	vst v63  }
.LBB2_19:
0x1ee: {  	_ =	sfence.sel $0x180000  }
0x1ef: {  	[bflag:$0x0] =	sbarrier.arrive $0xFFFF  }
0x1f0: {  	p0 =	sne.s32 s1, $0x0;
	_ =	strace $0x9000004A  }
0x1f1: {  	s0 =	sadd.s32 @!p0 $0x100000, s0;
	[bflag:$0x2] =	sbarrier.arrive $0xFFFF  }
0x1f2: {  	[sflag:s0] =	ssyncadd.tile.s32 @!p0 $0x1;
	_ =	shalt  }
.Lfunc_end2:
_tile_overlayer_lowered:
.L_overlay_start_2:
0x1f3: {  	(tag) =	ssettag $0x2  }
0x1f4: {  	s0 =	rddreg [dreg:$0x0];
	s2 =	stileid.u32  }
0x1f5: {  	s1 =	rddreg [dreg:$0x1];
	p0 =	sne.s32 s2, $0x0  }
0x1f6: {  	s3 =	rddreg [dreg:$0x2];
	[bflag:$0x3] =	sbarrier.arrive $0xFFFF;
	s2 =	simm.s32 @!p0 $0x1C05  }
0x1f7: {  	[timem:s3], [sflag:s2] =	dma.local @!p0 [hbm:s0], s1  }
0x1f8: {  	s0 =	simm.s32 @!p0 $0x5  }
0x1f9: {  	_ =	swait.ge @!p0 [sflag:s0], s1  }
0x1fa: {  	s1 =	ssub.s32 @!p0 $0x0, s1;
	[sflag:s0] =	ssyncset.done @!p0 $0x0  }
0x1fb: {  	[sflag:s0] =	ssyncadd.s32 @!p0 s1  }
0x1fc: {  	[bflag:$0x3] =	sbarrier.arrive $0xFFFF  }
0x1fd: {  	_ =	shalt  }

// kernel: sparse-core-data-format-call.cloned.1.call-start
scs
called_computation_lowered:
.L_overlay_start_0:
0x0: {  	s1 =	sld [smem:$0x3FD9]  }
0x1: {  	s2 =	sld [smem:$0x3FFE];
	_ =	sdelay $0x1  }
0x2: {  	s3 =	srdreg.scid  }
0x3: {  	s0 =	sand.u32 $0x1, s3  }
0x4: {  	s17 =	sshll.u32 s0, $0xA;
	s1 =	sadd.s32 s2, s1  }
0x5: {  	s1 =	sadd.s32 s1, s17  }
0x6: {  	[smem:$0x3FC6] =	sst s1  }
0x7: {  	_ = 	snop  }
0x8: {  	(tm) =	ssettm $0x1  }
0x9: {  	s18 =	sld [smem:$0x3FFB];
	_ =	sdelay $0x3  }
0xa: {  	_ =	strace s18  }
0xb: {  	s1 =	sld [smem:$0x3FFC];
	_ =	sdelay $0x3  }
0xc: {  	_ =	strace s1  }
0xd: {  	s1 =	sld [smem:$0x3FFD];
	_ =	sdelay $0x3  }
0xe: {  	_ =	strace s1  }
0xf: {  	_ =	strace $0x8FFFFFFF  }
0x10: {  	s19 =	sld [smem:$0x3FDB];
	_ =	sdelay $0x1  }
0x11: {  	s20 =	simm.s32 $_scs_section_size  }
0x12: {  	s4 =	simm.s32 $_size__tile_overlayer_lowered;
	s5 =	simm.s32 $_tile_overlayer_lowered  }
0x13: {  	s23 =	simm.s32 $0x1BFF;
	s22 =	sshll.u32 s5, $0x1;
	s1 =	sadd.s32 s20, s19  }
0x14: {  	s6 =	simm.s32 $0x0;
	s21 =	sshll.u32 s4, $0x1;
	s4 =	sadd.s32 s22, s1  }
0x15: {  	[timem:s6], [sflag:s23] =	dma.local [hbm:s4], s21  }
0x16: {  	_ =	swait.ge [sflag:s23], s21  }
0x17: {  	s2 =	ssub.s32 $0x0, s21;
	[sflag:s23] =	ssyncset.done $0x0  }
0x18: {  	[sflag:s23] =	ssyncadd.s32 s2;
	_ =	sdelay $0x1  }
0x19: {  	s24 =	simm.s32 $0x1B8B  }
0x1a: {  	_ =	swait.ge [sflag:s24], $0x1  }
0x1b: {  	[sflag:s24] =	ssyncset.done $0x0  }
0x1c: {  	s26 =	simm.s32 $0x1B8E;
	s25 =	sld [smem:$0x3FFE];
	[sflag:s24] =	ssyncadd.s32 $0xFFFFFFFF  }
0x1d: {  	s27 =	simm.s32 $execute0_lowered;
	[smem:$0x3FD2] =	sst s26  }
0x1e: {  	s4 =	sshll.u32 s27, $0x1;
	_ =	strace $0x80000046;
	[dreg:$0x1] =	wrdreg $0xFFFFFFFF  }
0x1f: {  	s28 =	simm.s32 $_size_execute0_lowered;
	s1 =	sadd.s32 s1, s4;
	[dreg:$0x0] =	wrdreg $0x0  }
0x20: {  	s4 =	sshll.u32 s28, $0x1;
	[dreg:$0x2] =	wrdreg s1  }
0x21: {  	[dreg:$0x3] =	wrdreg s4  }
0x22: {  	[dreg:$0x4] =	wrdreg $0xC0  }
0x23: {  	_ =	task [dreg:s6], $0x5FFFF  }
0x24: {  	[dreg:$0x1] =	wrdreg $0xFFFFFFFF  }
0x25: {  	[dreg:$0x0] =	wrdreg $0x60  }
0x26: {  	[dreg:$0x2] =	wrdreg s25  }
0x27: {  	[dreg:$0x3] =	wrdreg $0x9  }
0x28: {  	_ =	task.clear_ibuf [dreg:s6], $0x4FFFF;
	_ =	strace $0x90000046  }
0x29: {  	s29 =	simm.s32 $0x9;
	_ =	strace $0x80000048  }
0x2a: {  	_ =	swait.ge [sflag:s29], $0x1  }
0x2b: {  	[sflag:s29] =	ssyncadd.s32 $0xFFFFFFFF  }
0x2c: {  	_ =	strace $0x90000048  }
0x2d: {  	_ =	sfence  }
0x2e: {  	s30 =	sld [smem:$0x0];
	_ =	sdelay $0x2  }
0x2f: {  	s31 =	sshll.u32 s3, $0xD;
	s3 =	sshrl.u32 s3, $0x2  }
0x30: {  	s2 =	sand.u32 $0x4000, s31;
	s1 =	sadd.s32 s3, s30  }
0x31: {  	s0 =	sor.u32 s2, s0;
	s1 =	sshll.u32 s1, $0x11  }
0x32: {  	s0 =	sor.u32 s1, s0  }
0x33: {  	s0 =	sadd.s32 $0x8F2B, s0  }
0x34: {  	[sflag:s0] =	ssyncadd.remote.s32 $0x1  }
0x35: {  	_ =	sfence.sel $0xFFFF  }
0x36: {  	[dreg:$0x0] =	wrdreg $0xFFFFFFFF;
	(pc) =	sbr.abs _section_cstart, $3  }
0x37: {  	[dreg:$0x1] =	wrdreg $0xFFFFFFFF  }
0x38: {  	_ =	task.clear_ibuf [dreg:s6], $0x2FFFF;
	_ =	strace $0x9FFFFFFF  }
0x39: {  	(tm) =	ssettm $0x7FFFFFFF  }
tec
execute0_lowered:
.L_overlay_start_1:
0x0: {  	(tag) =	ssettag $0x1  }
0x1: {  	s0 =	srdreg.scid  }
0x2: {  	s5 =	rddreg [dreg:$0x0];
	s1 =	stileid.u32;
	s4 =	simm.s32 $0x1  }
0x3: {  	s6 =	simm.s32 $0x2;
	s15 =	simm.s32 $0x0;
	p0 =	por $0x0, $0x0  }
0x4: {  	s8 =	simm.s32 $0x80;
	s14 =	simm.s32 $0x0;
	s2 =	sshll.u32 s0, $0x4  }
0x5: {  	s9 =	simm.s32 $0x0;
	s10 =	simm.s32 $0x0;
	s2 =	sand.u32 $0x10, s2  }
.Ltmp0:
0x6: {  	s12 =	simm.s32 $0x0;
	s3 =	sor.u32 s1, s2;
	(pc) =	sbr.rel .LBB1_1-.Ltmp0, $4  }
0x7: {  	s0 =	rddreg [dreg:$0x1];
	_ =	strace $0x80000047;
	s3 =	sshll.u32 s3, $0x7  }
0x8: {  	s13 =	simm.s32 $0x0;
	[sflag:s4] =	ssyncpa.u1 $0x0;
	s7 =	ssub.s32 $0xF8200, s3  }
0x9: {  	s2 =	sadd.s32 $0x800, s5;
	[sflag:s6] =	ssyncpa.u1 $0x0;
	s6 =	sshrl.u32 s7, $0xC  }
0xa: {  	s5 =	sadd.s32 $0x3E1200, s5;
	s11 =	smov.u32 s3;
	s7 =	sadd.s32 $0x2, s6  }
.LBB1_5:
0xb: {  	p1 =	slt.u32 s13, $0x2  }
0xc: {  	s17 =	smov.u32 s15;
	p2 =	sgt.s32 @!p1 s15, $0xF81C0;
	s16 =	sshra.s32 @!p1 s15, $0x1F  }
0xd: {  	p3 =	sgt.s32 @!p1 s14, $0x60;
	s18 =	sshra.s32 @!p1 s14, $0x1F;
	p2 =	por !p2, p1  }
0xe: {  	s15 =	sand.u32 @!p1 s16, s15;
	p3 =	por !p3, p1;
	s16 =	smov.u32 s14  }
0xf: {  	s14 =	sand.u32 @!p1 s18, s14;
	s17 =	simm.s32 @p2 $0xF81C0;
	s16 =	simm.s32 @p3 $0x60  }
0x10: {  	s15 =	ssub.s32 @!p1 s17, s15;
	s14 =	ssub.s32 @!p1 s16, s14  }
0x11: {  	s18 =	smov.u32 s12;
	s16 =	sadd.s32 @!p1 $0xFFF07E40, s15;
	s17 =	sadd.s32 @!p1 $0xFFFFFFA0, s14  }
0x12: {  	s15 =	ssub.s32 @!p1 $0xF8240, s15;
	p2 =	sgt.s32 @!p1 s16, $0x7F;
	p3 =	sgt.s32 @!p1 s17, $0x1F  }
0x13: {  	s14 =	ssub.s32 @!p1 $0x80, s14;
	p2 =	por !p2, p1;
	p3 =	por !p3, p1  }
0x14: {  	s16 =	sadd.s32 $0x1000, s11;
	s15 =	simm.s32 @!p2 $0x0;
	s14 =	simm.s32 @!p3 $0x0  }
0x15: {  	p2 =	sgt.s32 s16, $0xF823F;
	s14 =	smul.u32 @!p1 s14, s15;
	s15 =	sadd.s32 $0x20, s12  }
0x16: {  	s18 =	smov.u32 @p2 s15  }
0x17: {  	s16 =	smov.u32 @p2 s3;
	p2 =	sgt.s32 s18, $0x1F  }
0x18: {  	s18 =	simm.s32 @p2 $0x0;
	p2 =	sne.s32 s13, s7  }
.Ltmp1:
0x19: {  	p0 =	por !p0, !p0;
	s17 =	simm.s32 @!p1 $0x2;
	(pc) =	sbr.rel @!p2 .LBB1_6-.Ltmp1, $4  }
0x1a: {  	s15 =	smov.u32 s9;
	s9 =	smov.u32 s11;
	s14 =	sand.u32 @!p1 $0x3FFFFFFF, s14  }
0x1b: {  	s11 =	smov.u32 s16;
	_ =	swait.ge @!p1 [sflag:s17], s14;
	s19 =	ssub.s32 @!p1 $0x0, s14  }
0x1c: {  	s14 =	smov.u32 s10;
	s13 =	sadd.s32 $0x1, s13;
	[sflag:s17] =	ssyncset.done @!p1 $0x0  }
0x1d: {  	s10 =	smov.u32 s12;
	s12 =	smov.u32 s18;
	[sflag:s17] =	ssyncadd.s32 @!p1 s19  }
.LBB1_1:
0x1e: {  	p1 =	sgt.u32 s13, s6  }
0x1f: {  	s16 =	sshrl.u32 @!p1 s12, $0x3  }
0x20: {  	s17 =	sshll.u32 @!p1 s11, $0x3;
	s16 =	smul.u32 @!p1 $0x7C1400, s16  }
0x21: {  	s18 =	sshll.u32 @!p1 s12, $0x7;
	s17 =	sand.u32 @!p1 $0xFFFFFC00, s17  }
0x22: {  	s16 =	sadd.s32 @!p1 s16, s17;
	s17 =	sand.u32 @!p1 $0x380, s18  }
0x23: {  	s18 =	sand.u32 @!p1 $0x7F, s11;
	s16 =	sor.u32 @!p1 s17, s16  }
0x24: {  	s17 =	sor.u32 @!p1 s18, s16  }
0x25: {  	s18 =	smulhi.u32 @!p1 $0x840BBC0B, s17;
	_ =	sdelay $0x1  }
0x26: {  	s16 =	smulhi.u32 @!p1 $0x840BBC0B, s16;
	s18 =	sshrl.u32 @!p1 s18, $0x13  }
0x27: {  	s18 =	smul.u32 @!p1 $0xF8280, s18  }
0x28: {  	s19 =	sxor.u32 @!p1 $0xFFFFFFFF, s13;
	s16 =	sshrl.u32 @!p1 s16, $0x13  }
0x29: {  	s19 =	sshll.u32 @!p1 s19, $0xC;
	s16 =	sand.u32 @!p1 $0x1F, s16;
	s17 =	ssub.s32 @!p1 s17, s18  }
0x2a: {  	s16 =	smul.u32 @!p1 $0x1F050, s16;
	s18 =	sshrl.u32 @!p1 s17, $0x3;
	s17 =	sand.u32 @!p1 $0x7, s17  }
0x2b: {  	s19 =	sand.u32 @!p1 $0x1000, s19;
	s18 =	sadd.s32 @!p1 s2, s18;
	s17 =	sshll.u32 @!p1 s17, $0x12  }
0x2c: {  	s16 =	sadd.s32 @!p1 s16, s18;
	s17 =	sor.u32 @!p1 $0x400, s17;
	s18 =	simm.s32 @!p1 $0x7C1400  }
0x2d: {  	[tilespmem:s19], [sflag:$0x1] =	stream.strided.gather @!p1 [hbm4b:s16+s17], $0x1000, s18, s17, $0x38;
	[tilespmem:$0x4100] =	vst v63  }
0x2e: {  	p1 =	seq.s32 s13, $0x0  }
0x2f: {  	p2 =	sge.u32 @!p1 s13, s7  }
0x30: {  	p1 =	por p1, p2  }
.Ltmp2:
0x31: {  	_ = 	snop;
	(pc) =	sbr.rel @p1 .LBB1_5-.Ltmp2, $1  }
0x32: {  	_ =	sdelay $0x3  }
0x33: {  	s16 =	simm.s32 $0x1  }
0x34: {  	_ =	swait.ge [sflag:s4], $0x1000;
	s16 =	simm.s32 @!p0 $0x0  }
0x35: {  	[sflag:s4] =	ssyncset.done $0x0;
	s17 =	sshll.u32 s16, $0xC  }
0x36: {  	[sflag:s4] =	ssyncadd.s32 $0xFFFFF000;
	s17 =	sor.u32 $0x40, s17  }
0x37: {  	s16 =	smul.u32 $0x4200, s16;
	v0 =	vld [tilespmem:s17+$0x30]  }
0x38: {  	v1 =	vld [tilespmem:s17+$0xFFFFFFD0]  }
0x39: {  	s16 =	sshrl.u32 s16, $0x2;
	v5 =	vld [tilespmem:s17+$0xFFFFFFE0]  }
0x3a: {  	v6 =	vld [tilespmem:s17+$0xFFFFFFF0];
	s19 =	sor.u32 $0x2000, s16  }
0x3b: {  	s31 =	sand.u32 $0x1, s13;
	v4 =	vld [tilespmem:s17+$0x0];
	s18 =	sadd.s32 $0x0, s19  }
0x3c: {  	v3 =	vld [tilespmem:s17+$0x10];
	s16 =	smul.u32 $0x4200, s31;
	[tilespmem:s18+$0xE70 ss:$0x21] =	vst.msk $0xffff, v0  }
0x3d: {  	v2 =	vld [tilespmem:s17+$0x20];
	[tilespmem:s18+$0x210 ss:$0x21] =	vst.msk $0xffff, v1  }
0x3e: {  	s16 =	sshrl.u32 s16, $0x2;
	v1 =	vld [tilespmem:s17+$0xFFFFFFC0];
	[tilespmem:s18+$0x420 ss:$0x21] =	vst.msk $0xffff, v5;
	s17 =	sadd.s32 $0x80, s17  }
0x3f: {  	s20 =	simm.s32 $0x4;
	s21 =	simm.s32 $0x8;
	s16 =	sor.u32 $0x2000, s16;
	[tilespmem:s18+$0x630 ss:$0x21] =	vst.msk $0xffff, v6;
	v0 =	vld [tilespmem:s17+$0x30]  }
.LBB1_3:
0x40: {  	p1 =	sne.s32 s21, $0x7C;
	v5 =	vld [tilespmem:s17+$0xFFFFFFD0];
	[tilespmem:s18+$0x840 ss:$0x21] =	vst.msk $0xffff, v4  }
0x41: {  	v6 =	vld [tilespmem:s17+$0xFFFFFFE0];
	[tilespmem:s18+$0xA50 ss:$0x21] =	vst.msk $0xffff, v3  }
0x42: {  	s22 =	sshra.s32 s20, $0x2;
	s20 =	smov.u32 s21;
	v7 =	vld [tilespmem:s17+$0xFFFFFFF0];
	[tilespmem:s18+$0xC60 ss:$0x21] =	vst.msk $0xffff, v2  }
.Ltmp3:
0x43: {  	v4 =	vld [tilespmem:s17+$0x0];
	[tilespmem:s18+$0x0 ss:$0x21] =	vst.msk $0xffff, v1;
	s18 =	sadd.s32 s22, s19;
	(pc) =	sbr.rel @p1 .LBB1_3-.Ltmp3, $4  }
0x44: {  	v3 =	vld [tilespmem:s17+$0x10];
	[tilespmem:s18+$0xE70 ss:$0x21] =	vst.msk $0xffff, v0  }
0x45: {  	[tilespmem:s18+$0x210 ss:$0x21] =	vst.msk $0xffff, v5;
	v2 =	vld [tilespmem:s17+$0x20]  }
0x46: {  	v1 =	vld [tilespmem:s17+$0xFFFFFFC0];
	[tilespmem:s18+$0x420 ss:$0x21] =	vst.msk $0xffff, v6;
	s17 =	sadd.s32 $0x80, s17  }
0x47: {  	s21 =	sadd.s32 $0x4, s21;
	v0 =	vld [tilespmem:s17+$0x30];
	[tilespmem:s18+$0x630 ss:$0x21] =	vst.msk $0xffff, v7  }
0x48: {  	s21 =	sshll.u32 s9, $0x7;
	s22 =	sshll.u32 s10, $0x3;
	s20 =	sshra.s32 s20, $0x2  }
0x49: {  	p1 =	sgt.s32 s9, $0xF81C0;
	s30 =	sshra.s32 s9, $0x1F;
	s25 =	sshra.s32 s10, $0x1F  }
0x4a: {  	v5 =	vld [tilespmem:s17+$0xFFFFFFD0];
	s28 =	sshrl.u32 s10, $0x3;
	s23 =	sand.u32 $0xFFFFFC00, s21;
	s22 =	sand.u32 $0xFFFFFC00, s22  }
0x4b: {  	[tilespmem:s18+$0x840 ss:$0x21] =	vst.msk $0xffff, v4;
	v58 =	vld [tilespmem:s17+$0xFFFFFFE0];
	s21 =	sand.u32 $0x380, s21;
	s19 =	sadd.s32 s20, s19;
	s22 =	sadd.s32 s22, s23  }
0x4c: {  	v59 =	vld [tilespmem:s17+$0xFFFFFFF0];
	[tilespmem:s18+$0xA50 ss:$0x21] =	vst.msk $0xffff, v3;
	s29 =	sor.u32 s21, s22;
	s21 =	smov.u32 s9;
	s22 =	sand.u32 s30, s9  }
0x4d: {  	v60 =	vld [tilespmem:s17+$0x0];
	[tilespmem:s18+$0xC60 ss:$0x21] =	vst.msk $0xffff, v2;
	s30 =	sand.u32 $0x7, s10;
	s20 =	sshrl.u32 s29, $0x7;
	s21 =	simm.s32 @!p1 $0xF81C0  }
0x4e: {  	v61 =	vld [tilespmem:s17+$0x10];
	[tilespmem:s18+$0x0 ss:$0x21] =	vst.msk $0xffff, v1;
	p1 =	sgt.s32 s10, $0x60;
	s24 =	ssub.s32 s21, s22;
	s21 =	smov.u32 s10  }
0x4f: {  	v62 =	vld [tilespmem:s17+$0x20];
	[tilespmem:s19+$0xE70 ss:$0x21] =	vst.msk $0xffff, v0;
	s31 =	smulhi.u32 $0x840DDD, s20;
	s22 =	sand.u32 s25, s10;
	s21 =	simm.s32 @!p1 $0x60  }
0x50: {  	v63 =	vld [tilespmem:s17+$0xFFFFFFC0];
	[tilespmem:s19+$0x210 ss:$0x21] =	vst.msk $0xffff, v5;
	s26 =	sadd.s32 $0xFFF07E40, s24;
	s17 =	ssub.s32 $0xF8240, s24;
	s21 =	ssub.s32 s21, s22  }
0x51: {  	[tilespmem:s19+$0x420 ss:$0x21] =	vst.msk $0xffff, v58;
	s23 =	sshrl.u32 s31, $0xB;
	p1 =	sgt.s32 s26, $0x7F;
	s27 =	sadd.s32 $0xFFFFFFA0, s21  }
0x52: {  	[tilespmem:s19+$0x630 ss:$0x21] =	vst.msk $0xffff, v59;
	s23 =	smul.u32 $0xF8240, s23;
	s18 =	ssub.s32 $0x80, s21;
	p2 =	sgt.s32 s27, $0x1F  }
.Ltmp4:
0x53: {  	[tilespmem:s19+$0x840 ss:$0x21] =	vst.msk $0xffff, v60;
	s17 =	simm.s32 @p1 $0x0;
	s18 =	simm.s32 @p2 $0x0;
	(pc) =	sbr.rel .LBB1_5-.Ltmp4, $4  }
0x54: {  	s29 =	sand.u32 $0xF, s28;
	[tilespmem:s19+$0xA50 ss:$0x21] =	vst.msk $0xffff, v61;
	s20 =	ssub.s32 s20, s23;
	s17 =	smul.u32 s18, s17  }
0x55: {  	[tilespmem:s19+$0xC60 ss:$0x21] =	vst.msk $0xffff, v62;
	s21 =	sshll.u32 s30, $0x12;
	s20 =	sshll.u32 s20, $0x4;
	s18 =	sadd.s32 s5, s29  }
0x56: {  	[tilespmem:s19+$0x0 ss:$0x21] =	vst.msk $0xffff, v63;
	s31 =	sor.u32 $0x20, s21;
	s18 =	sadd.s32 s20, s18;
	s17 =	sand.u32 $0x3FFFFFFF, s17  }
0x57: {  	[hbm4b:s18+s31] =	stream.strided.scatter [tilespmem:s16], [sflag:$0x2], s17, s8, s31, $0x10;
	[tilespmem:$0x4100] =	vst v63  }
.LBB1_6:
0x58: {  	_ =	sfence.sel $0x180000  }
0x59: {  	s2 =	simm.s32 $0x1;
	[bflag:$0x0] =	sbarrier.arrive $0xFFFF  }
0x5a: {  	s31 =	simm.s32 $0x2;
	[sflag:s2] =	ssyncpa.u1 $0x1  }
0x5b: {  	[sflag:s31] =	ssyncpa.u1 $0x1  }
0x5c: {  	p0 =	sne.s32 s1, $0x0;
	_ =	strace $0x90000047  }
0x5d: {  	s0 =	sadd.s32 @!p0 $0x100000, s0;
	[bflag:$0x2] =	sbarrier.arrive $0xFFFF  }
0x5e: {  	[sflag:s0] =	ssyncadd.tile.s32 @!p0 $0x1;
	_ =	shalt  }
.Lfunc_end1:
_tile_overlayer_lowered:
.L_overlay_start_2:
0x5f: {  	(tag) =	ssettag $0x2  }
0x60: {  	s0 =	rddreg [dreg:$0x0];
	s2 =	stileid.u32  }
0x61: {  	s1 =	rddreg [dreg:$0x1];
	p0 =	sne.s32 s2, $0x0  }
0x62: {  	s3 =	rddreg [dreg:$0x2];
	[bflag:$0x3] =	sbarrier.arrive $0xFFFF;
	s2 =	simm.s32 @!p0 $0x1C01  }
0x63: {  	[timem:s3], [sflag:s2] =	dma.local @!p0 [hbm:s0], s1  }
0x64: {  	s0 =	simm.s32 @!p0 $0x1  }
0x65: {  	_ =	swait.ge @!p0 [sflag:s0], s1  }
0x66: {  	s1 =	ssub.s32 @!p0 $0x0, s1;
	[sflag:s0] =	ssyncset.done @!p0 $0x0  }
0x67: {  	[sflag:s0] =	ssyncadd.s32 @!p0 s1  }
0x68: {  	[bflag:$0x3] =	sbarrier.arrive $0xFFFF  }
0x69: {  	_ =	shalt  }

</sc_bundles>
